<compile_context>
chip_gen: v7x
topology: tpu7x:2x2x1
jax: 0.10.2.dev20260603
libtpu: 0.0.44.dev20260713+nightly
codegen_flags: <defaults>
</compile_context>

<pallas_src>
import functools

import jax
import jax.numpy as jnp
from jax import lax
from jax.experimental import pallas as pl
from jax.experimental.pallas import tpu as pltpu
from jax.experimental.pallas import tpu_sc as plsc

B = 16384
D_MODEL = 1024

_NC = 2
_NS = 16
_NW = _NC * _NS
_CH = 128
_BUF = 512


def _make_sc_gather(batch, out_dim=128):
    rows_per_w = batch // _NW
    n_ch = rows_per_w // _CH
    n_outer = max(1, rows_per_w // _BUF)
    ch_per_outer = n_ch // n_outer
    mesh = plsc.VectorSubcoreMesh(core_axis_name="c", subcore_axis_name="s")

    @functools.partial(
        pl.kernel,
        mesh=mesh,
        out_type=jax.ShapeDtypeStruct((batch, out_dim), jnp.float32),
        scratch_types=[
            pltpu.VMEM((n_ch, _CH), jnp.int32),
            pltpu.VMEM((min(rows_per_w, _BUF), 128), jnp.float32),
            pltpu.SemaphoreType.DMA,
        ],
    )
    def gather_kernel(table_hbm, idx_hbm, out_hbm, idx_v, rows_v, sem):
        wid = lax.axis_index("s") * _NC + lax.axis_index("c")
        pltpu.sync_copy(idx_hbm.at[pl.ds(wid * n_ch, n_ch)], idx_v)
        for o in range(n_outer):
            copies = []
            for j in range(ch_per_outer):
                copies.append(
                    pltpu.async_copy(
                        table_hbm.at[idx_v.at[o * ch_per_outer + j]],
                        rows_v.at[pl.ds(j * _CH, _CH)],
                        sem,
                    )
                )
            for c in copies:
                c.wait()
            pltpu.sync_copy(
                rows_v.at[pl.ds(0, ch_per_outer * _CH), pl.ds(0, out_dim)],
                out_hbm.at[pl.ds(wid * rows_per_w + o * ch_per_outer * _CH,
                                 ch_per_outer * _CH)],
            )

    return gather_kernel


_SQRT2INV = 0.7071067811865476


def _tc_body(mt_ref, r_ref, td_ref, Weff_ref, g_ref, be_ref, o_ref):
    mt = mt_ref[...]
    ones = jnp.ones((_BLK, 1), jnp.float32)
    cond = jnp.concatenate(
        [mt[:_BLK, :64], r_ref[...], mt[_BLK:, :64], td_ref[...], ones], axis=1)
    u = jnp.dot(cond, Weff_ref[...], preferred_element_type=jnp.float32)
    g = u * (1.0 + lax.erf(u))
    q = g * g
    sg = jnp.sum(g, axis=1, keepdims=True)
    sq = jnp.sum(q, axis=1, keepdims=True)
    mug = sg * (1.0 / D_MODEL)
    var = (sq * (1.0 / D_MODEL) - mug * mug) * 0.5
    srow = _SQRT2INV / jnp.sqrt(var + 1e-5)
    o_ref[...] = (g - mug) * srow * g_ref[...] + be_ref[...]


_BLK = 2048


def _tc_forward(mt, r, td, Weff, ln_gamma, ln_beta):
    grid = (B // _BLK,)
    const = lambda s: pl.BlockSpec(s, lambda i: (0, 0))
    return pl.pallas_call(
        _tc_body,
        grid=grid,
        in_specs=[
            pl.BlockSpec((2 * _BLK, 128), lambda i: (i, 0)),
            pl.BlockSpec((_BLK, 128), lambda i: (i, 0)),
            pl.BlockSpec((_BLK, 2), lambda i: (i, 0)),
            const((259, D_MODEL)),
            const((1, D_MODEL)), const((1, D_MODEL)),
        ],
        out_specs=pl.BlockSpec((_BLK, D_MODEL), lambda i: (i, 0)),
        out_shape=jax.ShapeDtypeStruct((B, D_MODEL), jnp.float32),
        compiler_params=pltpu.CompilerParams(
            dimension_semantics=("arbitrary",),
        ),
    )(mt, r, td, Weff, ln_gamma, ln_beta)


def kernel(mood, raga, taal, tempo, duration,
           mood_table, raga_table, taal_table,
           W_tempo, b_tempo, W_dur, b_dur,
           W_proj, b_proj, ln_gamma, ln_beta):
    nm = mood_table.shape[0]
    small_table = jnp.concatenate([
        jnp.pad(mood_table, ((0, 0), (0, 64))),
        jnp.pad(taal_table, ((0, 0), (0, 64))),
    ], axis=0)
    mood_i = mood.astype(jnp.int32).reshape(B // _BLK, _BLK)
    taal_i = taal.astype(jnp.int32).reshape(B // _BLK, _BLK) + nm
    small_idx = jnp.stack([mood_i, taal_i], axis=1).reshape(2 * B // _CH, _CH)
    raga_i = raga.astype(jnp.int32).reshape(B // _CH, _CH)

    mt = _make_sc_gather(2 * B)(small_table, small_idx)
    r = _make_sc_gather(B)(raga_table, raga_i)

    W4 = W_proj[256:288]
    W5 = W_proj[288:320]
    wt = W_tempo @ W4
    wd = W_dur @ W5
    brow = b_tempo @ W4 + b_dur @ W5 + b_proj
    Weff = jnp.concatenate(
        [W_proj[:256], wt, wd, brow[None, :]], axis=0) * _SQRT2INV

    td = jnp.stack([tempo, duration], axis=1)

    return _tc_forward(
        mt, r, td, Weff,
        ln_gamma.reshape(1, D_MODEL), ln_beta.reshape(1, D_MODEL),
    )

# --- scband reference (transcript-rebuilt; emitter-appended) ---
"""Pipeline reference for scband-conditioning-module-82755429859926 (READ-ONLY COPY).

The authoritative reference and input builder live on the scoring server;
editing this copy changes nothing except your own understanding.
"""

import jax, jax.numpy as jnp
import numpy as np

B = 16384
NUM_MOODS, MOOD_DIM = 1000, 64
NUM_RAGAS, RAGA_DIM = 100000, 128
NUM_TAALS, TAAL_DIM = 1000, 64
TEMPO_DIM, DUR_DIM = 32, 32
COND_DIM = MOOD_DIM + RAGA_DIM + TAAL_DIM + TEMPO_DIM + DUR_DIM  # 320
D_MODEL = 1024


def setup_inputs(seed: int = 0) -> dict:
    key = jax.random.key(seed)
    ks = jax.random.split(key, 16)
    mood = jax.random.randint(ks[0], (B,), 0, NUM_MOODS, dtype=jnp.int32).astype(jnp.int64)
    raga = jax.random.randint(ks[1], (B,), 0, NUM_RAGAS, dtype=jnp.int32).astype(jnp.int64)
    taal = jax.random.randint(ks[2], (B,), 0, NUM_TAALS, dtype=jnp.int32).astype(jnp.int64)
    tempo = jax.random.uniform(ks[3], (B,), dtype=jnp.float32)
    duration = jax.random.uniform(ks[4], (B,), dtype=jnp.float32)
    mood_table = jax.random.normal(ks[5], (NUM_MOODS, MOOD_DIM), dtype=jnp.float32) * 0.02
    raga_table = jax.random.normal(ks[6], (NUM_RAGAS, RAGA_DIM), dtype=jnp.float32) * 0.02
    taal_table = jax.random.normal(ks[7], (NUM_TAALS, TAAL_DIM), dtype=jnp.float32) * 0.02
    W_tempo = jax.random.normal(ks[8], (1, TEMPO_DIM), dtype=jnp.float32) * 0.1
    b_tempo = jnp.zeros((TEMPO_DIM,), dtype=jnp.float32)
    W_dur = jax.random.normal(ks[9], (1, DUR_DIM), dtype=jnp.float32) * 0.1
    b_dur = jnp.zeros((DUR_DIM,), dtype=jnp.float32)
    W_proj = jax.random.normal(ks[10], (COND_DIM, D_MODEL), dtype=jnp.float32) * 0.02
    b_proj = jnp.zeros((D_MODEL,), dtype=jnp.float32)
    ln_gamma = jnp.ones((D_MODEL,), dtype=jnp.float32)
    ln_beta = jnp.zeros((D_MODEL,), dtype=jnp.float32)
    return {
        'mood': mood, 'raga': raga, 'taal': taal, 'tempo': tempo, 'duration': duration,
        'mood_table': mood_table, 'raga_table': raga_table, 'taal_table': taal_table,
        'W_tempo': W_tempo, 'b_tempo': b_tempo, 'W_dur': W_dur, 'b_dur': b_dur,
        'W_proj': W_proj, 'b_proj': b_proj, 'ln_gamma': ln_gamma, 'ln_beta': ln_beta,
    }


def reference(mood, raga, taal, tempo, duration,
              mood_table, raga_table, taal_table,
              W_tempo, b_tempo, W_dur, b_dur,
              W_proj, b_proj, ln_gamma, ln_beta):
    m = jnp.take(mood_table, mood, axis=0)
    r = jnp.take(raga_table, raga, axis=0)
    t = jnp.take(taal_table, taal, axis=0)
    tp = tempo[:, None].astype(jnp.float32) @ W_tempo + b_tempo
    d = duration[:, None].astype(jnp.float32) @ W_dur + b_dur
    cond = jnp.concatenate([m, r, t, tp, d], axis=-1)
    h = cond @ W_proj + b_proj
    h = jax.nn.gelu(h, approximate=False)
    mu = jnp.mean(h, axis=-1, keepdims=True)
    var = jnp.mean((h - mu) ** 2, axis=-1, keepdims=True)
    out = (h - mu) / jnp.sqrt(var + 1e-5) * ln_gamma + ln_beta
    return out

if __name__ == "__main__":
    import jax
    _d = setup_inputs()
    print(jax.jit(kernel)(*tuple(_d.values())))

</pallas_src>

<mosaic_0001>
#map = affine_map<(d0, d1) -> (0, 0)>
module attributes {stable_mosaic.version = 14 : i64} {
  func.func @gather_kernel(%arg0: i32, %arg1: i32, %arg2: memref<100000x128xf32, #tpu.memory_space<hbm>>, %arg3: memref<128x128xi32, #tpu.memory_space<hbm>>, %arg4: memref<16384x128xf32, #tpu.memory_space<hbm>>, %arg5: memref<4x128xi32, #tpu.memory_space<vmem>>, %arg6: memref<512x128xf32, #tpu.memory_space<vmem>>, %arg7: memref<!tpu.dma_semaphore, #tpu.memory_space<semaphore_mem>>) attributes {dimension_semantics = [#tpu.dimension_semantics<core_parallel>, #tpu.dimension_semantics<subcore_parallel>], iteration_bounds = array<i64: 2, 16>, scalar_prefetch = 0 : i64, scratch_operands = 3 : i64, tpu.core_type = #tpu.core_type<sc_vector_subcore>, window_params = [{transform_indices = #map}, {transform_indices = #map}, {transform_indices = #map}]} {
    %mul3A = arith.constant 2 : i32
    %mul3A_0 = arith.muli %arg1, %mul3A : i32
    %add3A = arith.addi %mul3A_0, %arg0 : i32
    %mul3A_1 = arith.constant 4 : i32
    %mul3A_2 = arith.muli %add3A, %mul3A_1 : i32
    "tpu.region"() ({
      %run_scoped3A = tpu.sem_alloc : memref<!tpu.dma_semaphore, #tpu.memory_space<semaphore_mem>>
      %dma_start3A_85 = arith.constant 0 : i32
      %dma_start3A_86 = tpu.memref_slice %arg3[%mul3A_2, %dma_start3A_85] : memref<128x128xi32, #tpu.memory_space<hbm>> -> memref<4x128xi32, #tpu.memory_space<hbm>>
      %dma_start3A_87 = arith.constant 0 : i32
      %dma_start3A_88 = tpu.memref_slice %arg3[%mul3A_2, %dma_start3A_87] : memref<128x128xi32, #tpu.memory_space<hbm>> -> memref<4x128xi32, #tpu.memory_space<hbm>>
      tpu.enqueue_dma source(%dma_start3A_88 : memref<4x128xi32, #tpu.memory_space<hbm>>) target(%arg5 : memref<4x128xi32, #tpu.memory_space<vmem>>) target_semaphore(%run_scoped3A : memref<!tpu.dma_semaphore, #tpu.memory_space<semaphore_mem>>)
      %dma_wait3A_89 = arith.constant 0 : i32
      %dma_wait3A_90 = tpu.memref_slice %arg3[%mul3A_2, %dma_wait3A_89] : memref<128x128xi32, #tpu.memory_space<hbm>> -> memref<4x128xi32, #tpu.memory_space<hbm>>
      %dma_wait3A_91 = arith.constant 0 : i32
      %dma_wait3A_92 = tpu.memref_slice %arg3[%mul3A_2, %dma_wait3A_91] : memref<128x128xi32, #tpu.memory_space<hbm>> -> memref<4x128xi32, #tpu.memory_space<hbm>>
      tpu.wait_dma2 semaphore(%run_scoped3A : memref<!tpu.dma_semaphore, #tpu.memory_space<semaphore_mem>>) src(%dma_wait3A_92 : memref<4x128xi32, #tpu.memory_space<hbm>>) dst(%arg5 : memref<4x128xi32, #tpu.memory_space<vmem>>)
      tpu.yield
    }) : () -> ()
    %dma_start3A = arith.constant 0 : i32
    %dma_start3A_3 = arith.constant 0 : i32
    %dma_start3A_4 = arith.constant 0 : i32
    %dma_start3A_5 = tpu.memref_slice %arg6[%dma_start3A_3, %dma_start3A_4] : memref<512x128xf32, #tpu.memory_space<vmem>> -> memref<128x128xf32, #tpu.memory_space<vmem>>
    %dma_start3A_6 = arith.constant 0 : i32
    %dma_start3A_7 = tpu.memref_slice %arg5[%dma_start3A, %dma_start3A_6] : memref<4x128xi32, #tpu.memory_space<vmem>> -> memref<1x128xi32, #tpu.memory_space<vmem>>
    %dma_start3A_8 = tpu.memref_squeeze %dma_start3A_7 : memref<1x128xi32, #tpu.memory_space<vmem>> -> memref<128xi32, #tpu.memory_space<vmem>>
    %dma_start3A_9 = arith.constant 0 : i32
    %dma_start3A_10 = arith.constant 0 : i32
    %dma_start3A_11 = tpu.memref_slice %arg2[%dma_start3A_9, %dma_start3A_10] : memref<100000x128xf32, #tpu.memory_space<hbm>> -> memref<100000x128xf32, #tpu.memory_space<hbm>>
    tpu.enqueue_indirect_dma source(%dma_start3A_11 : memref<100000x128xf32, #tpu.memory_space<hbm>>) target(%dma_start3A_5 : memref<128x128xf32, #tpu.memory_space<vmem>>) offsets(%dma_start3A_8 : memref<128xi32, #tpu.memory_space<vmem>>) semaphore(%arg7 : memref<!tpu.dma_semaphore, #tpu.memory_space<semaphore_mem>>)
    %dma_start3A_12 = arith.constant 1 : i32
    %dma_start3A_13 = arith.constant 128 : i32
    %dma_start3A_14 = arith.constant 0 : i32
    %dma_start3A_15 = tpu.memref_slice %arg6[%dma_start3A_13, %dma_start3A_14] : memref<512x128xf32, #tpu.memory_space<vmem>> -> memref<128x128xf32, #tpu.memory_space<vmem>>
    %dma_start3A_16 = arith.constant 0 : i32
    %dma_start3A_17 = tpu.memref_slice %arg5[%dma_start3A_12, %dma_start3A_16] : memref<4x128xi32, #tpu.memory_space<vmem>> -> memref<1x128xi32, #tpu.memory_space<vmem>>
    %dma_start3A_18 = tpu.memref_squeeze %dma_start3A_17 : memref<1x128xi32, #tpu.memory_space<vmem>> -> memref<128xi32, #tpu.memory_space<vmem>>
    %dma_start3A_19 = arith.constant 0 : i32
    %dma_start3A_20 = arith.constant 0 : i32
    %dma_start3A_21 = tpu.memref_slice %arg2[%dma_start3A_19, %dma_start3A_20] : memref<100000x128xf32, #tpu.memory_space<hbm>> -> memref<100000x128xf32, #tpu.memory_space<hbm>>
    tpu.enqueue_indirect_dma source(%dma_start3A_21 : memref<100000x128xf32, #tpu.memory_space<hbm>>) target(%dma_start3A_15 : memref<128x128xf32, #tpu.memory_space<vmem>>) offsets(%dma_start3A_18 : memref<128xi32, #tpu.memory_space<vmem>>) semaphore(%arg7 : memref<!tpu.dma_semaphore, #tpu.memory_space<semaphore_mem>>)
    %dma_start3A_22 = arith.constant 2 : i32
    %dma_start3A_23 = arith.constant 256 : i32
    %dma_start3A_24 = arith.constant 0 : i32
    %dma_start3A_25 = tpu.memref_slice %arg6[%dma_start3A_23, %dma_start3A_24] : memref<512x128xf32, #tpu.memory_space<vmem>> -> memref<128x128xf32, #tpu.memory_space<vmem>>
    %dma_start3A_26 = arith.constant 0 : i32
    %dma_start3A_27 = tpu.memref_slice %arg5[%dma_start3A_22, %dma_start3A_26] : memref<4x128xi32, #tpu.memory_space<vmem>> -> memref<1x128xi32, #tpu.memory_space<vmem>>
    %dma_start3A_28 = tpu.memref_squeeze %dma_start3A_27 : memref<1x128xi32, #tpu.memory_space<vmem>> -> memref<128xi32, #tpu.memory_space<vmem>>
    %dma_start3A_29 = arith.constant 0 : i32
    %dma_start3A_30 = arith.constant 0 : i32
    %dma_start3A_31 = tpu.memref_slice %arg2[%dma_start3A_29, %dma_start3A_30] : memref<100000x128xf32, #tpu.memory_space<hbm>> -> memref<100000x128xf32, #tpu.memory_space<hbm>>
    tpu.enqueue_indirect_dma source(%dma_start3A_31 : memref<100000x128xf32, #tpu.memory_space<hbm>>) target(%dma_start3A_25 : memref<128x128xf32, #tpu.memory_space<vmem>>) offsets(%dma_start3A_28 : memref<128xi32, #tpu.memory_space<vmem>>) semaphore(%arg7 : memref<!tpu.dma_semaphore, #tpu.memory_space<semaphore_mem>>)
    %dma_start3A_32 = arith.constant 3 : i32
    %dma_start3A_33 = arith.constant 384 : i32
    %dma_start3A_34 = arith.constant 0 : i32
    %dma_start3A_35 = tpu.memref_slice %arg6[%dma_start3A_33, %dma_start3A_34] : memref<512x128xf32, #tpu.memory_space<vmem>> -> memref<128x128xf32, #tpu.memory_space<vmem>>
    %dma_start3A_36 = arith.constant 0 : i32
    %dma_start3A_37 = tpu.memref_slice %arg5[%dma_start3A_32, %dma_start3A_36] : memref<4x128xi32, #tpu.memory_space<vmem>> -> memref<1x128xi32, #tpu.memory_space<vmem>>
    %dma_start3A_38 = tpu.memref_squeeze %dma_start3A_37 : memref<1x128xi32, #tpu.memory_space<vmem>> -> memref<128xi32, #tpu.memory_space<vmem>>
    %dma_start3A_39 = arith.constant 0 : i32
    %dma_start3A_40 = arith.constant 0 : i32
    %dma_start3A_41 = tpu.memref_slice %arg2[%dma_start3A_39, %dma_start3A_40] : memref<100000x128xf32, #tpu.memory_space<hbm>> -> memref<100000x128xf32, #tpu.memory_space<hbm>>
    tpu.enqueue_indirect_dma source(%dma_start3A_41 : memref<100000x128xf32, #tpu.memory_space<hbm>>) target(%dma_start3A_35 : memref<128x128xf32, #tpu.memory_space<vmem>>) offsets(%dma_start3A_38 : memref<128xi32, #tpu.memory_space<vmem>>) semaphore(%arg7 : memref<!tpu.dma_semaphore, #tpu.memory_space<semaphore_mem>>)
    %dma_wait3A = arith.constant 0 : i32
    %dma_wait3A_42 = arith.constant 0 : i32
    %dma_wait3A_43 = arith.constant 0 : i32
    %dma_wait3A_44 = tpu.memref_slice %arg6[%dma_wait3A_42, %dma_wait3A_43] : memref<512x128xf32, #tpu.memory_space<vmem>> -> memref<128x128xf32, #tpu.memory_space<vmem>>
    %dma_wait3A_45 = arith.constant 0 : i32
    %dma_wait3A_46 = tpu.memref_slice %arg5[%dma_wait3A, %dma_wait3A_45] : memref<4x128xi32, #tpu.memory_space<vmem>> -> memref<1x128xi32, #tpu.memory_space<vmem>>
    %dma_wait3A_47 = tpu.memref_squeeze %dma_wait3A_46 : memref<1x128xi32, #tpu.memory_space<vmem>> -> memref<128xi32, #tpu.memory_space<vmem>>
    %dma_wait3A_48 = arith.constant 0 : i32
    %dma_wait3A_49 = arith.constant 0 : i32
    %dma_wait3A_50 = tpu.memref_slice %arg2[%dma_wait3A_48, %dma_wait3A_49] : memref<100000x128xf32, #tpu.memory_space<hbm>> -> memref<100000x128xf32, #tpu.memory_space<hbm>>
    tpu.wait_indirect_dma semaphore(%arg7 : memref<!tpu.dma_semaphore, #tpu.memory_space<semaphore_mem>>) src(%dma_wait3A_50 : memref<100000x128xf32, #tpu.memory_space<hbm>>) dst(%dma_wait3A_44 : memref<128x128xf32, #tpu.memory_space<vmem>>)
    %dma_wait3A_51 = arith.constant 1 : i32
    %dma_wait3A_52 = arith.constant 128 : i32
    %dma_wait3A_53 = arith.constant 0 : i32
    %dma_wait3A_54 = tpu.memref_slice %arg6[%dma_wait3A_52, %dma_wait3A_53] : memref<512x128xf32, #tpu.memory_space<vmem>> -> memref<128x128xf32, #tpu.memory_space<vmem>>
    %dma_wait3A_55 = arith.constant 0 : i32
    %dma_wait3A_56 = tpu.memref_slice %arg5[%dma_wait3A_51, %dma_wait3A_55] : memref<4x128xi32, #tpu.memory_space<vmem>> -> memref<1x128xi32, #tpu.memory_space<vmem>>
    %dma_wait3A_57 = tpu.memref_squeeze %dma_wait3A_56 : memref<1x128xi32, #tpu.memory_space<vmem>> -> memref<128xi32, #tpu.memory_space<vmem>>
    %dma_wait3A_58 = arith.constant 0 : i32
    %dma_wait3A_59 = arith.constant 0 : i32
    %dma_wait3A_60 = tpu.memref_slice %arg2[%dma_wait3A_58, %dma_wait3A_59] : memref<100000x128xf32, #tpu.memory_space<hbm>> -> memref<100000x128xf32, #tpu.memory_space<hbm>>
    tpu.wait_indirect_dma semaphore(%arg7 : memref<!tpu.dma_semaphore, #tpu.memory_space<semaphore_mem>>) src(%dma_wait3A_60 : memref<100000x128xf32, #tpu.memory_space<hbm>>) dst(%dma_wait3A_54 : memref<128x128xf32, #tpu.memory_space<vmem>>)
    %dma_wait3A_61 = arith.constant 2 : i32
    %dma_wait3A_62 = arith.constant 256 : i32
    %dma_wait3A_63 = arith.constant 0 : i32
    %dma_wait3A_64 = tpu.memref_slice %arg6[%dma_wait3A_62, %dma_wait3A_63] : memref<512x128xf32, #tpu.memory_space<vmem>> -> memref<128x128xf32, #tpu.memory_space<vmem>>
    %dma_wait3A_65 = arith.constant 0 : i32
    %dma_wait3A_66 = tpu.memref_slice %arg5[%dma_wait3A_61, %dma_wait3A_65] : memref<4x128xi32, #tpu.memory_space<vmem>> -> memref<1x128xi32, #tpu.memory_space<vmem>>
    %dma_wait3A_67 = tpu.memref_squeeze %dma_wait3A_66 : memref<1x128xi32, #tpu.memory_space<vmem>> -> memref<128xi32, #tpu.memory_space<vmem>>
    %dma_wait3A_68 = arith.constant 0 : i32
    %dma_wait3A_69 = arith.constant 0 : i32
    %dma_wait3A_70 = tpu.memref_slice %arg2[%dma_wait3A_68, %dma_wait3A_69] : memref<100000x128xf32, #tpu.memory_space<hbm>> -> memref<100000x128xf32, #tpu.memory_space<hbm>>
    tpu.wait_indirect_dma semaphore(%arg7 : memref<!tpu.dma_semaphore, #tpu.memory_space<semaphore_mem>>) src(%dma_wait3A_70 : memref<100000x128xf32, #tpu.memory_space<hbm>>) dst(%dma_wait3A_64 : memref<128x128xf32, #tpu.memory_space<vmem>>)
    %dma_wait3A_71 = arith.constant 3 : i32
    %dma_wait3A_72 = arith.constant 384 : i32
    %dma_wait3A_73 = arith.constant 0 : i32
    %dma_wait3A_74 = tpu.memref_slice %arg6[%dma_wait3A_72, %dma_wait3A_73] : memref<512x128xf32, #tpu.memory_space<vmem>> -> memref<128x128xf32, #tpu.memory_space<vmem>>
    %dma_wait3A_75 = arith.constant 0 : i32
    %dma_wait3A_76 = tpu.memref_slice %arg5[%dma_wait3A_71, %dma_wait3A_75] : memref<4x128xi32, #tpu.memory_space<vmem>> -> memref<1x128xi32, #tpu.memory_space<vmem>>
    %dma_wait3A_77 = tpu.memref_squeeze %dma_wait3A_76 : memref<1x128xi32, #tpu.memory_space<vmem>> -> memref<128xi32, #tpu.memory_space<vmem>>
    %dma_wait3A_78 = arith.constant 0 : i32
    %dma_wait3A_79 = arith.constant 0 : i32
    %dma_wait3A_80 = tpu.memref_slice %arg2[%dma_wait3A_78, %dma_wait3A_79] : memref<100000x128xf32, #tpu.memory_space<hbm>> -> memref<100000x128xf32, #tpu.memory_space<hbm>>
    tpu.wait_indirect_dma semaphore(%arg7 : memref<!tpu.dma_semaphore, #tpu.memory_space<semaphore_mem>>) src(%dma_wait3A_80 : memref<100000x128xf32, #tpu.memory_space<hbm>>) dst(%dma_wait3A_74 : memref<128x128xf32, #tpu.memory_space<vmem>>)
    %mul3A_81 = arith.constant 512 : i32
    %mul3A_82 = arith.muli %add3A, %mul3A_81 : i32
    %add3A_83 = arith.constant 0 : i32
    %add3A_84 = arith.addi %mul3A_82, %add3A_83 : i32
    "tpu.region"() ({
      %run_scoped3A = tpu.sem_alloc : memref<!tpu.dma_semaphore, #tpu.memory_space<semaphore_mem>>
      %dma_start3A_85 = arith.constant 0 : i32
      %dma_start3A_86 = arith.constant 0 : i32
      %dma_start3A_87 = tpu.memref_slice %arg6[%dma_start3A_85, %dma_start3A_86] : memref<512x128xf32, #tpu.memory_space<vmem>> -> memref<512x128xf32, #tpu.memory_space<vmem>>
      %dma_start3A_88 = arith.constant 0 : i32
      %dma_start3A_89 = tpu.memref_slice %arg4[%add3A_84, %dma_start3A_88] : memref<16384x128xf32, #tpu.memory_space<hbm>> -> memref<512x128xf32, #tpu.memory_space<hbm>>
      %dma_start3A_90 = arith.constant 0 : i32
      %dma_start3A_91 = tpu.memref_slice %arg4[%add3A_84, %dma_start3A_90] : memref<16384x128xf32, #tpu.memory_space<hbm>> -> memref<512x128xf32, #tpu.memory_space<hbm>>
      %dma_start3A_92 = arith.constant 0 : i32
      %dma_start3A_93 = arith.constant 0 : i32
      %dma_start3A_94 = tpu.memref_slice %arg6[%dma_start3A_92, %dma_start3A_93] : memref<512x128xf32, #tpu.memory_space<vmem>> -> memref<512x128xf32, #tpu.memory_space<vmem>>
      tpu.enqueue_dma source(%dma_start3A_94 : memref<512x128xf32, #tpu.memory_space<vmem>>) target(%dma_start3A_91 : memref<512x128xf32, #tpu.memory_space<hbm>>) target_semaphore(%run_scoped3A : memref<!tpu.dma_semaphore, #tpu.memory_space<semaphore_mem>>)
      %dma_wait3A_95 = arith.constant 0 : i32
      %dma_wait3A_96 = arith.constant 0 : i32
      %dma_wait3A_97 = tpu.memref_slice %arg6[%dma_wait3A_95, %dma_wait3A_96] : memref<512x128xf32, #tpu.memory_space<vmem>> -> memref<512x128xf32, #tpu.memory_space<vmem>>
      %dma_wait3A_98 = arith.constant 0 : i32
      %dma_wait3A_99 = tpu.memref_slice %arg4[%add3A_84, %dma_wait3A_98] : memref<16384x128xf32, #tpu.memory_space<hbm>> -> memref<512x128xf32, #tpu.memory_space<hbm>>
      %dma_wait3A_100 = arith.constant 0 : i32
      %dma_wait3A_101 = tpu.memref_slice %arg4[%add3A_84, %dma_wait3A_100] : memref<16384x128xf32, #tpu.memory_space<hbm>> -> memref<512x128xf32, #tpu.memory_space<hbm>>
      %dma_wait3A_102 = arith.constant 0 : i32
      %dma_wait3A_103 = arith.constant 0 : i32
      %dma_wait3A_104 = tpu.memref_slice %arg6[%dma_wait3A_102, %dma_wait3A_103] : memref<512x128xf32, #tpu.memory_space<vmem>> -> memref<512x128xf32, #tpu.memory_space<vmem>>
      tpu.wait_dma2 semaphore(%run_scoped3A : memref<!tpu.dma_semaphore, #tpu.memory_space<semaphore_mem>>) src(%dma_wait3A_104 : memref<512x128xf32, #tpu.memory_space<vmem>>) dst(%dma_wait3A_101 : memref<512x128xf32, #tpu.memory_space<hbm>>)
      tpu.yield
    }) : () -> ()
    return
  }
}

#map = affine_map<(d0, d1) -> (0, 0)>
module attributes {stable_mosaic.version = 14 : i64} {
  func.func @gather_kernel(%arg0: i32, %arg1: i32, %arg2: memref<2000x128xf32, #tpu.memory_space<hbm>>, %arg3: memref<256x128xi32, #tpu.memory_space<hbm>>, %arg4: memref<32768x128xf32, #tpu.memory_space<hbm>>, %arg5: memref<8x128xi32, #tpu.memory_space<vmem>>, %arg6: memref<512x128xf32, #tpu.memory_space<vmem>>, %arg7: memref<!tpu.dma_semaphore, #tpu.memory_space<semaphore_mem>>) attributes {dimension_semantics = [#tpu.dimension_semantics<core_parallel>, #tpu.dimension_semantics<subcore_parallel>], iteration_bounds = array<i64: 2, 16>, scalar_prefetch = 0 : i64, scratch_operands = 3 : i64, tpu.core_type = #tpu.core_type<sc_vector_subcore>, window_params = [{transform_indices = #map}, {transform_indices = #map}, {transform_indices = #map}]} {
    %mul3A = arith.constant 2 : i32
    %mul3A_0 = arith.muli %arg1, %mul3A : i32
    %add3A = arith.addi %mul3A_0, %arg0 : i32
    %mul3A_1 = arith.constant 8 : i32
    %mul3A_2 = arith.muli %add3A, %mul3A_1 : i32
    "tpu.region"() ({
      %run_scoped3A = tpu.sem_alloc : memref<!tpu.dma_semaphore, #tpu.memory_space<semaphore_mem>>
      %dma_start3A_169 = arith.constant 0 : i32
      %dma_start3A_170 = tpu.memref_slice %arg3[%mul3A_2, %dma_start3A_169] : memref<256x128xi32, #tpu.memory_space<hbm>> -> memref<8x128xi32, #tpu.memory_space<hbm>>
      %dma_start3A_171 = arith.constant 0 : i32
      %dma_start3A_172 = tpu.memref_slice %arg3[%mul3A_2, %dma_start3A_171] : memref<256x128xi32, #tpu.memory_space<hbm>> -> memref<8x128xi32, #tpu.memory_space<hbm>>
      tpu.enqueue_dma source(%dma_start3A_172 : memref<8x128xi32, #tpu.memory_space<hbm>>) target(%arg5 : memref<8x128xi32, #tpu.memory_space<vmem>>) target_semaphore(%run_scoped3A : memref<!tpu.dma_semaphore, #tpu.memory_space<semaphore_mem>>)
      %dma_wait3A_173 = arith.constant 0 : i32
      %dma_wait3A_174 = tpu.memref_slice %arg3[%mul3A_2, %dma_wait3A_173] : memref<256x128xi32, #tpu.memory_space<hbm>> -> memref<8x128xi32, #tpu.memory_space<hbm>>
      %dma_wait3A_175 = arith.constant 0 : i32
      %dma_wait3A_176 = tpu.memref_slice %arg3[%mul3A_2, %dma_wait3A_175] : memref<256x128xi32, #tpu.memory_space<hbm>> -> memref<8x128xi32, #tpu.memory_space<hbm>>
      tpu.wait_dma2 semaphore(%run_scoped3A : memref<!tpu.dma_semaphore, #tpu.memory_space<semaphore_mem>>) src(%dma_wait3A_176 : memref<8x128xi32, #tpu.memory_space<hbm>>) dst(%arg5 : memref<8x128xi32, #tpu.memory_space<vmem>>)
      tpu.yield
    }) : () -> ()
    %dma_start3A = arith.constant 0 : i32
    %dma_start3A_3 = arith.constant 0 : i32
    %dma_start3A_4 = arith.constant 0 : i32
    %dma_start3A_5 = tpu.memref_slice %arg6[%dma_start3A_3, %dma_start3A_4] : memref<512x128xf32, #tpu.memory_space<vmem>> -> memref<128x128xf32, #tpu.memory_space<vmem>>
    %dma_start3A_6 = arith.constant 0 : i32
    %dma_start3A_7 = tpu.memref_slice %arg5[%dma_start3A, %dma_start3A_6] : memref<8x128xi32, #tpu.memory_space<vmem>> -> memref<1x128xi32, #tpu.memory_space<vmem>>
    %dma_start3A_8 = tpu.memref_squeeze %dma_start3A_7 : memref<1x128xi32, #tpu.memory_space<vmem>> -> memref<128xi32, #tpu.memory_space<vmem>>
    %dma_start3A_9 = arith.constant 0 : i32
    %dma_start3A_10 = arith.constant 0 : i32
    %dma_start3A_11 = tpu.memref_slice %arg2[%dma_start3A_9, %dma_start3A_10] : memref<2000x128xf32, #tpu.memory_space<hbm>> -> memref<2000x128xf32, #tpu.memory_space<hbm>>
    tpu.enqueue_indirect_dma source(%dma_start3A_11 : memref<2000x128xf32, #tpu.memory_space<hbm>>) target(%dma_start3A_5 : memref<128x128xf32, #tpu.memory_space<vmem>>) offsets(%dma_start3A_8 : memref<128xi32, #tpu.memory_space<vmem>>) semaphore(%arg7 : memref<!tpu.dma_semaphore, #tpu.memory_space<semaphore_mem>>)
    %dma_start3A_12 = arith.constant 1 : i32
    %dma_start3A_13 = arith.constant 128 : i32
    %dma_start3A_14 = arith.constant 0 : i32
    %dma_start3A_15 = tpu.memref_slice %arg6[%dma_start3A_13, %dma_start3A_14] : memref<512x128xf32, #tpu.memory_space<vmem>> -> memref<128x128xf32, #tpu.memory_space<vmem>>
    %dma_start3A_16 = arith.constant 0 : i32
    %dma_start3A_17 = tpu.memref_slice %arg5[%dma_start3A_12, %dma_start3A_16] : memref<8x128xi32, #tpu.memory_space<vmem>> -> memref<1x128xi32, #tpu.memory_space<vmem>>
    %dma_start3A_18 = tpu.memref_squeeze %dma_start3A_17 : memref<1x128xi32, #tpu.memory_space<vmem>> -> memref<128xi32, #tpu.memory_space<vmem>>
    %dma_start3A_19 = arith.constant 0 : i32
    %dma_start3A_20 = arith.constant 0 : i32
    %dma_start3A_21 = tpu.memref_slice %arg2[%dma_start3A_19, %dma_start3A_20] : memref<2000x128xf32, #tpu.memory_space<hbm>> -> memref<2000x128xf32, #tpu.memory_space<hbm>>
    tpu.enqueue_indirect_dma source(%dma_start3A_21 : memref<2000x128xf32, #tpu.memory_space<hbm>>) target(%dma_start3A_15 : memref<128x128xf32, #tpu.memory_space<vmem>>) offsets(%dma_start3A_18 : memref<128xi32, #tpu.memory_space<vmem>>) semaphore(%arg7 : memref<!tpu.dma_semaphore, #tpu.memory_space<semaphore_mem>>)
    %dma_start3A_22 = arith.constant 2 : i32
    %dma_start3A_23 = arith.constant 256 : i32
    %dma_start3A_24 = arith.constant 0 : i32
    %dma_start3A_25 = tpu.memref_slice %arg6[%dma_start3A_23, %dma_start3A_24] : memref<512x128xf32, #tpu.memory_space<vmem>> -> memref<128x128xf32, #tpu.memory_space<vmem>>
    %dma_start3A_26 = arith.constant 0 : i32
    %dma_start3A_27 = tpu.memref_slice %arg5[%dma_start3A_22, %dma_start3A_26] : memref<8x128xi32, #tpu.memory_space<vmem>> -> memref<1x128xi32, #tpu.memory_space<vmem>>
    %dma_start3A_28 = tpu.memref_squeeze %dma_start3A_27 : memref<1x128xi32, #tpu.memory_space<vmem>> -> memref<128xi32, #tpu.memory_space<vmem>>
    %dma_start3A_29 = arith.constant 0 : i32
    %dma_start3A_30 = arith.constant 0 : i32
    %dma_start3A_31 = tpu.memref_slice %arg2[%dma_start3A_29, %dma_start3A_30] : memref<2000x128xf32, #tpu.memory_space<hbm>> -> memref<2000x128xf32, #tpu.memory_space<hbm>>
    tpu.enqueue_indirect_dma source(%dma_start3A_31 : memref<2000x128xf32, #tpu.memory_space<hbm>>) target(%dma_start3A_25 : memref<128x128xf32, #tpu.memory_space<vmem>>) offsets(%dma_start3A_28 : memref<128xi32, #tpu.memory_space<vmem>>) semaphore(%arg7 : memref<!tpu.dma_semaphore, #tpu.memory_space<semaphore_mem>>)
    %dma_start3A_32 = arith.constant 3 : i32
    %dma_start3A_33 = arith.constant 384 : i32
    %dma_start3A_34 = arith.constant 0 : i32
    %dma_start3A_35 = tpu.memref_slice %arg6[%dma_start3A_33, %dma_start3A_34] : memref<512x128xf32, #tpu.memory_space<vmem>> -> memref<128x128xf32, #tpu.memory_space<vmem>>
    %dma_start3A_36 = arith.constant 0 : i32
    %dma_start3A_37 = tpu.memref_slice %arg5[%dma_start3A_32, %dma_start3A_36] : memref<8x128xi32, #tpu.memory_space<vmem>> -> memref<1x128xi32, #tpu.memory_space<vmem>>
    %dma_start3A_38 = tpu.memref_squeeze %dma_start3A_37 : memref<1x128xi32, #tpu.memory_space<vmem>> -> memref<128xi32, #tpu.memory_space<vmem>>
    %dma_start3A_39 = arith.constant 0 : i32
    %dma_start3A_40 = arith.constant 0 : i32
    %dma_start3A_41 = tpu.memref_slice %arg2[%dma_start3A_39, %dma_start3A_40] : memref<2000x128xf32, #tpu.memory_space<hbm>> -> memref<2000x128xf32, #tpu.memory_space<hbm>>
    tpu.enqueue_indirect_dma source(%dma_start3A_41 : memref<2000x128xf32, #tpu.memory_space<hbm>>) target(%dma_start3A_35 : memref<128x128xf32, #tpu.memory_space<vmem>>) offsets(%dma_start3A_38 : memref<128xi32, #tpu.memory_space<vmem>>) semaphore(%arg7 : memref<!tpu.dma_semaphore, #tpu.memory_space<semaphore_mem>>)
    %dma_wait3A = arith.constant 0 : i32
    %dma_wait3A_42 = arith.constant 0 : i32
    %dma_wait3A_43 = arith.constant 0 : i32
    %dma_wait3A_44 = tpu.memref_slice %arg6[%dma_wait3A_42, %dma_wait3A_43] : memref<512x128xf32, #tpu.memory_space<vmem>> -> memref<128x128xf32, #tpu.memory_space<vmem>>
    %dma_wait3A_45 = arith.constant 0 : i32
    %dma_wait3A_46 = tpu.memref_slice %arg5[%dma_wait3A, %dma_wait3A_45] : memref<8x128xi32, #tpu.memory_space<vmem>> -> memref<1x128xi32, #tpu.memory_space<vmem>>
    %dma_wait3A_47 = tpu.memref_squeeze %dma_wait3A_46 : memref<1x128xi32, #tpu.memory_space<vmem>> -> memref<128xi32, #tpu.memory_space<vmem>>
    %dma_wait3A_48 = arith.constant 0 : i32
    %dma_wait3A_49 = arith.constant 0 : i32
    %dma_wait3A_50 = tpu.memref_slice %arg2[%dma_wait3A_48, %dma_wait3A_49] : memref<2000x128xf32, #tpu.memory_space<hbm>> -> memref<2000x128xf32, #tpu.memory_space<hbm>>
    tpu.wait_indirect_dma semaphore(%arg7 : memref<!tpu.dma_semaphore, #tpu.memory_space<semaphore_mem>>) src(%dma_wait3A_50 : memref<2000x128xf32, #tpu.memory_space<hbm>>) dst(%dma_wait3A_44 : memref<128x128xf32, #tpu.memory_space<vmem>>)
    %dma_wait3A_51 = arith.constant 1 : i32
    %dma_wait3A_52 = arith.constant 128 : i32
    %dma_wait3A_53 = arith.constant 0 : i32
    %dma_wait3A_54 = tpu.memref_slice %arg6[%dma_wait3A_52, %dma_wait3A_53] : memref<512x128xf32, #tpu.memory_space<vmem>> -> memref<128x128xf32, #tpu.memory_space<vmem>>
    %dma_wait3A_55 = arith.constant 0 : i32
    %dma_wait3A_56 = tpu.memref_slice %arg5[%dma_wait3A_51, %dma_wait3A_55] : memref<8x128xi32, #tpu.memory_space<vmem>> -> memref<1x128xi32, #tpu.memory_space<vmem>>
    %dma_wait3A_57 = tpu.memref_squeeze %dma_wait3A_56 : memref<1x128xi32, #tpu.memory_space<vmem>> -> memref<128xi32, #tpu.memory_space<vmem>>
    %dma_wait3A_58 = arith.constant 0 : i32
    %dma_wait3A_59 = arith.constant 0 : i32
    %dma_wait3A_60 = tpu.memref_slice %arg2[%dma_wait3A_58, %dma_wait3A_59] : memref<2000x128xf32, #tpu.memory_space<hbm>> -> memref<2000x128xf32, #tpu.memory_space<hbm>>
    tpu.wait_indirect_dma semaphore(%arg7 : memref<!tpu.dma_semaphore, #tpu.memory_space<semaphore_mem>>) src(%dma_wait3A_60 : memref<2000x128xf32, #tpu.memory_space<hbm>>) dst(%dma_wait3A_54 : memref<128x128xf32, #tpu.memory_space<vmem>>)
    %dma_wait3A_61 = arith.constant 2 : i32
    %dma_wait3A_62 = arith.constant 256 : i32
    %dma_wait3A_63 = arith.constant 0 : i32
    %dma_wait3A_64 = tpu.memref_slice %arg6[%dma_wait3A_62, %dma_wait3A_63] : memref<512x128xf32, #tpu.memory_space<vmem>> -> memref<128x128xf32, #tpu.memory_space<vmem>>
    %dma_wait3A_65 = arith.constant 0 : i32
    %dma_wait3A_66 = tpu.memref_slice %arg5[%dma_wait3A_61, %dma_wait3A_65] : memref<8x128xi32, #tpu.memory_space<vmem>> -> memref<1x128xi32, #tpu.memory_space<vmem>>
    %dma_wait3A_67 = tpu.memref_squeeze %dma_wait3A_66 : memref<1x128xi32, #tpu.memory_space<vmem>> -> memref<128xi32, #tpu.memory_space<vmem>>
    %dma_wait3A_68 = arith.constant 0 : i32
    %dma_wait3A_69 = arith.constant 0 : i32
    %dma_wait3A_70 = tpu.memref_slice %arg2[%dma_wait3A_68, %dma_wait3A_69] : memref<2000x128xf32, #tpu.memory_space<hbm>> -> memref<2000x128xf32, #tpu.memory_space<hbm>>
    tpu.wait_indirect_dma semaphore(%arg7 : memref<!tpu.dma_semaphore, #tpu.memory_space<semaphore_mem>>) src(%dma_wait3A_70 : memref<2000x128xf32, #tpu.memory_space<hbm>>) dst(%dma_wait3A_64 : memref<128x128xf32, #tpu.memory_space<vmem>>)
    %dma_wait3A_71 = arith.constant 3 : i32
    %dma_wait3A_72 = arith.constant 384 : i32
    %dma_wait3A_73 = arith.constant 0 : i32
    %dma_wait3A_74 = tpu.memref_slice %arg6[%dma_wait3A_72, %dma_wait3A_73] : memref<512x128xf32, #tpu.memory_space<vmem>> -> memref<128x128xf32, #tpu.memory_space<vmem>>
    %dma_wait3A_75 = arith.constant 0 : i32
    %dma_wait3A_76 = tpu.memref_slice %arg5[%dma_wait3A_71, %dma_wait3A_75] : memref<8x128xi32, #tpu.memory_space<vmem>> -> memref<1x128xi32, #tpu.memory_space<vmem>>
    %dma_wait3A_77 = tpu.memref_squeeze %dma_wait3A_76 : memref<1x128xi32, #tpu.memory_space<vmem>> -> memref<128xi32, #tpu.memory_space<vmem>>
    %dma_wait3A_78 = arith.constant 0 : i32
    %dma_wait3A_79 = arith.constant 0 : i32
    %dma_wait3A_80 = tpu.memref_slice %arg2[%dma_wait3A_78, %dma_wait3A_79] : memref<2000x128xf32, #tpu.memory_space<hbm>> -> memref<2000x128xf32, #tpu.memory_space<hbm>>
    tpu.wait_indirect_dma semaphore(%arg7 : memref<!tpu.dma_semaphore, #tpu.memory_space<semaphore_mem>>) src(%dma_wait3A_80 : memref<2000x128xf32, #tpu.memory_space<hbm>>) dst(%dma_wait3A_74 : memref<128x128xf32, #tpu.memory_space<vmem>>)
    %mul3A_81 = arith.constant 1024 : i32
    %mul3A_82 = arith.muli %add3A, %mul3A_81 : i32
    %add3A_83 = arith.constant 0 : i32
    %add3A_84 = arith.addi %mul3A_82, %add3A_83 : i32
    "tpu.region"() ({
      %run_scoped3A = tpu.sem_alloc : memref<!tpu.dma_semaphore, #tpu.memory_space<semaphore_mem>>
      %dma_start3A_169 = arith.constant 0 : i32
      %dma_start3A_170 = arith.constant 0 : i32
      %dma_start3A_171 = tpu.memref_slice %arg6[%dma_start3A_169, %dma_start3A_170] : memref<512x128xf32, #tpu.memory_space<vmem>> -> memref<512x128xf32, #tpu.memory_space<vmem>>
      %dma_start3A_172 = arith.constant 0 : i32
      %dma_start3A_173 = tpu.memref_slice %arg4[%add3A_84, %dma_start3A_172] : memref<32768x128xf32, #tpu.memory_space<hbm>> -> memref<512x128xf32, #tpu.memory_space<hbm>>
      %dma_start3A_174 = arith.constant 0 : i32
      %dma_start3A_175 = tpu.memref_slice %arg4[%add3A_84, %dma_start3A_174] : memref<32768x128xf32, #tpu.memory_space<hbm>> -> memref<512x128xf32, #tpu.memory_space<hbm>>
      %dma_start3A_176 = arith.constant 0 : i32
      %dma_start3A_177 = arith.constant 0 : i32
      %dma_start3A_178 = tpu.memref_slice %arg6[%dma_start3A_176, %dma_start3A_177] : memref<512x128xf32, #tpu.memory_space<vmem>> -> memref<512x128xf32, #tpu.memory_space<vmem>>
      tpu.enqueue_dma source(%dma_start3A_178 : memref<512x128xf32, #tpu.memory_space<vmem>>) target(%dma_start3A_175 : memref<512x128xf32, #tpu.memory_space<hbm>>) target_semaphore(%run_scoped3A : memref<!tpu.dma_semaphore, #tpu.memory_space<semaphore_mem>>)
      %dma_wait3A_179 = arith.constant 0 : i32
      %dma_wait3A_180 = arith.constant 0 : i32
      %dma_wait3A_181 = tpu.memref_slice %arg6[%dma_wait3A_179, %dma_wait3A_180] : memref<512x128xf32, #tpu.memory_space<vmem>> -> memref<512x128xf32, #tpu.memory_space<vmem>>
      %dma_wait3A_182 = arith.constant 0 : i32
      %dma_wait3A_183 = tpu.memref_slice %arg4[%add3A_84, %dma_wait3A_182] : memref<32768x128xf32, #tpu.memory_space<hbm>> -> memref<512x128xf32, #tpu.memory_space<hbm>>
      %dma_wait3A_184 = arith.constant 0 : i32
      %dma_wait3A_185 = tpu.memref_slice %arg4[%add3A_84, %dma_wait3A_184] : memref<32768x128xf32, #tpu.memory_space<hbm>> -> memref<512x128xf32, #tpu.memory_space<hbm>>
      %dma_wait3A_186 = arith.constant 0 : i32
      %dma_wait3A_187 = arith.constant 0 : i32
      %dma_wait3A_188 = tpu.memref_slice %arg6[%dma_wait3A_186, %dma_wait3A_187] : memref<512x128xf32, #tpu.memory_space<vmem>> -> memref<512x128xf32, #tpu.memory_space<vmem>>
      tpu.wait_dma2 semaphore(%run_scoped3A : memref<!tpu.dma_semaphore, #tpu.memory_space<semaphore_mem>>) src(%dma_wait3A_188 : memref<512x128xf32, #tpu.memory_space<vmem>>) dst(%dma_wait3A_185 : memref<512x128xf32, #tpu.memory_space<hbm>>)
      tpu.yield
    }) : () -> ()
    %dma_start3A_85 = arith.constant 4 : i32
    %dma_start3A_86 = arith.constant 0 : i32
    %dma_start3A_87 = arith.constant 0 : i32
    %dma_start3A_88 = tpu.memref_slice %arg6[%dma_start3A_86, %dma_start3A_87] : memref<512x128xf32, #tpu.memory_space<vmem>> -> memref<128x128xf32, #tpu.memory_space<vmem>>
    %dma_start3A_89 = arith.constant 0 : i32
    %dma_start3A_90 = tpu.memref_slice %arg5[%dma_start3A_85, %dma_start3A_89] : memref<8x128xi32, #tpu.memory_space<vmem>> -> memref<1x128xi32, #tpu.memory_space<vmem>>
    %dma_start3A_91 = tpu.memref_squeeze %dma_start3A_90 : memref<1x128xi32, #tpu.memory_space<vmem>> -> memref<128xi32, #tpu.memory_space<vmem>>
    %dma_start3A_92 = arith.constant 0 : i32
    %dma_start3A_93 = arith.constant 0 : i32
    %dma_start3A_94 = tpu.memref_slice %arg2[%dma_start3A_92, %dma_start3A_93] : memref<2000x128xf32, #tpu.memory_space<hbm>> -> memref<2000x128xf32, #tpu.memory_space<hbm>>
    tpu.enqueue_indirect_dma source(%dma_start3A_94 : memref<2000x128xf32, #tpu.memory_space<hbm>>) target(%dma_start3A_88 : memref<128x128xf32, #tpu.memory_space<vmem>>) offsets(%dma_start3A_91 : memref<128xi32, #tpu.memory_space<vmem>>) semaphore(%arg7 : memref<!tpu.dma_semaphore, #tpu.memory_space<semaphore_mem>>)
    %dma_start3A_95 = arith.constant 5 : i32
    %dma_start3A_96 = arith.constant 128 : i32
    %dma_start3A_97 = arith.constant 0 : i32
    %dma_start3A_98 = tpu.memref_slice %arg6[%dma_start3A_96, %dma_start3A_97] : memref<512x128xf32, #tpu.memory_space<vmem>> -> memref<128x128xf32, #tpu.memory_space<vmem>>
    %dma_start3A_99 = arith.constant 0 : i32
    %dma_start3A_100 = tpu.memref_slice %arg5[%dma_start3A_95, %dma_start3A_99] : memref<8x128xi32, #tpu.memory_space<vmem>> -> memref<1x128xi32, #tpu.memory_space<vmem>>
    %dma_start3A_101 = tpu.memref_squeeze %dma_start3A_100 : memref<1x128xi32, #tpu.memory_space<vmem>> -> memref<128xi32, #tpu.memory_space<vmem>>
    %dma_start3A_102 = arith.constant 0 : i32
    %dma_start3A_103 = arith.constant 0 : i32
    %dma_start3A_104 = tpu.memref_slice %arg2[%dma_start3A_102, %dma_start3A_103] : memref<2000x128xf32, #tpu.memory_space<hbm>> -> memref<2000x128xf32, #tpu.memory_space<hbm>>
    tpu.enqueue_indirect_dma source(%dma_start3A_104 : memref<2000x128xf32, #tpu.memory_space<hbm>>) target(%dma_start3A_98 : memref<128x128xf32, #tpu.memory_space<vmem>>) offsets(%dma_start3A_101 : memref<128xi32, #tpu.memory_space<vmem>>) semaphore(%arg7 : memref<!tpu.dma_semaphore, #tpu.memory_space<semaphore_mem>>)
    %dma_start3A_105 = arith.constant 6 : i32
    %dma_start3A_106 = arith.constant 256 : i32
    %dma_start3A_107 = arith.constant 0 : i32
    %dma_start3A_108 = tpu.memref_slice %arg6[%dma_start3A_106, %dma_start3A_107] : memref<512x128xf32, #tpu.memory_space<vmem>> -> memref<128x128xf32, #tpu.memory_space<vmem>>
    %dma_start3A_109 = arith.constant 0 : i32
    %dma_start3A_110 = tpu.memref_slice %arg5[%dma_start3A_105, %dma_start3A_109] : memref<8x128xi32, #tpu.memory_space<vmem>> -> memref<1x128xi32, #tpu.memory_space<vmem>>
    %dma_start3A_111 = tpu.memref_squeeze %dma_start3A_110 : memref<1x128xi32, #tpu.memory_space<vmem>> -> memref<128xi32, #tpu.memory_space<vmem>>
    %dma_start3A_112 = arith.constant 0 : i32
    %dma_start3A_113 = arith.constant 0 : i32
    %dma_start3A_114 = tpu.memref_slice %arg2[%dma_start3A_112, %dma_start3A_113] : memref<2000x128xf32, #tpu.memory_space<hbm>> -> memref<2000x128xf32, #tpu.memory_space<hbm>>
    tpu.enqueue_indirect_dma source(%dma_start3A_114 : memref<2000x128xf32, #tpu.memory_space<hbm>>) target(%dma_start3A_108 : memref<128x128xf32, #tpu.memory_space<vmem>>) offsets(%dma_start3A_111 : memref<128xi32, #tpu.memory_space<vmem>>) semaphore(%arg7 : memref<!tpu.dma_semaphore, #tpu.memory_space<semaphore_mem>>)
    %dma_start3A_115 = arith.constant 7 : i32
    %dma_start3A_116 = arith.constant 384 : i32
    %dma_start3A_117 = arith.constant 0 : i32
    %dma_start3A_118 = tpu.memref_slice %arg6[%dma_start3A_116, %dma_start3A_117] : memref<512x128xf32, #tpu.memory_space<vmem>> -> memref<128x128xf32, #tpu.memory_space<vmem>>
    %dma_start3A_119 = arith.constant 0 : i32
    %dma_start3A_120 = tpu.memref_slice %arg5[%dma_start3A_115, %dma_start3A_119] : memref<8x128xi32, #tpu.memory_space<vmem>> -> memref<1x128xi32, #tpu.memory_space<vmem>>
    %dma_start3A_121 = tpu.memref_squeeze %dma_start3A_120 : memref<1x128xi32, #tpu.memory_space<vmem>> -> memref<128xi32, #tpu.memory_space<vmem>>
    %dma_start3A_122 = arith.constant 0 : i32
    %dma_start3A_123 = arith.constant 0 : i32
    %dma_start3A_124 = tpu.memref_slice %arg2[%dma_start3A_122, %dma_start3A_123] : memref<2000x128xf32, #tpu.memory_space<hbm>> -> memref<2000x128xf32, #tpu.memory_space<hbm>>
    tpu.enqueue_indirect_dma source(%dma_start3A_124 : memref<2000x128xf32, #tpu.memory_space<hbm>>) target(%dma_start3A_118 : memref<128x128xf32, #tpu.memory_space<vmem>>) offsets(%dma_start3A_121 : memref<128xi32, #tpu.memory_space<vmem>>) semaphore(%arg7 : memref<!tpu.dma_semaphore, #tpu.memory_space<semaphore_mem>>)
    %dma_wait3A_125 = arith.constant 4 : i32
    %dma_wait3A_126 = arith.constant 0 : i32
    %dma_wait3A_127 = arith.constant 0 : i32
    %dma_wait3A_128 = tpu.memref_slice %arg6[%dma_wait3A_126, %dma_wait3A_127] : memref<512x128xf32, #tpu.memory_space<vmem>> -> memref<128x128xf32, #tpu.memory_space<vmem>>
    %dma_wait3A_129 = arith.constant 0 : i32
    %dma_wait3A_130 = tpu.memref_slice %arg5[%dma_wait3A_125, %dma_wait3A_129] : memref<8x128xi32, #tpu.memory_space<vmem>> -> memref<1x128xi32, #tpu.memory_space<vmem>>
    %dma_wait3A_131 = tpu.memref_squeeze %dma_wait3A_130 : memref<1x128xi32, #tpu.memory_space<vmem>> -> memref<128xi32, #tpu.memory_space<vmem>>
    %dma_wait3A_132 = arith.constant 0 : i32
    %dma_wait3A_133 = arith.constant 0 : i32
    %dma_wait3A_134 = tpu.memref_slice %arg2[%dma_wait3A_132, %dma_wait3A_133] : memref<2000x128xf32, #tpu.memory_space<hbm>> -> memref<2000x128xf32, #tpu.memory_space<hbm>>
    tpu.wait_indirect_dma semaphore(%arg7 : memref<!tpu.dma_semaphore, #tpu.memory_space<semaphore_mem>>) src(%dma_wait3A_134 : memref<2000x128xf32, #tpu.memory_space<hbm>>) dst(%dma_wait3A_128 : memref<128x128xf32, #tpu.memory_space<vmem>>)
    %dma_wait3A_135 = arith.constant 5 : i32
    %dma_wait3A_136 = arith.constant 128 : i32
    %dma_wait3A_137 = arith.constant 0 : i32
    %dma_wait3A_138 = tpu.memref_slice %arg6[%dma_wait3A_136, %dma_wait3A_137] : memref<512x128xf32, #tpu.memory_space<vmem>> -> memref<128x128xf32, #tpu.memory_space<vmem>>
    %dma_wait3A_139 = arith.constant 0 : i32
    %dma_wait3A_140 = tpu.memref_slice %arg5[%dma_wait3A_135, %dma_wait3A_139] : memref<8x128xi32, #tpu.memory_space<vmem>> -> memref<1x128xi32, #tpu.memory_space<vmem>>
    %dma_wait3A_141 = tpu.memref_squeeze %dma_wait3A_140 : memref<1x128xi32, #tpu.memory_space<vmem>> -> memref<128xi32, #tpu.memory_space<vmem>>
    %dma_wait3A_142 = arith.constant 0 : i32
    %dma_wait3A_143 = arith.constant 0 : i32
    %dma_wait3A_144 = tpu.memref_slice %arg2[%dma_wait3A_142, %dma_wait3A_143] : memref<2000x128xf32, #tpu.memory_space<hbm>> -> memref<2000x128xf32, #tpu.memory_space<hbm>>
    tpu.wait_indirect_dma semaphore(%arg7 : memref<!tpu.dma_semaphore, #tpu.memory_space<semaphore_mem>>) src(%dma_wait3A_144 : memref<2000x128xf32, #tpu.memory_space<hbm>>) dst(%dma_wait3A_138 : memref<128x128xf32, #tpu.memory_space<vmem>>)
    %dma_wait3A_145 = arith.constant 6 : i32
    %dma_wait3A_146 = arith.constant 256 : i32
    %dma_wait3A_147 = arith.constant 0 : i32
    %dma_wait3A_148 = tpu.memref_slice %arg6[%dma_wait3A_146, %dma_wait3A_147] : memref<512x128xf32, #tpu.memory_space<vmem>> -> memref<128x128xf32, #tpu.memory_space<vmem>>
    %dma_wait3A_149 = arith.constant 0 : i32
    %dma_wait3A_150 = tpu.memref_slice %arg5[%dma_wait3A_145, %dma_wait3A_149] : memref<8x128xi32, #tpu.memory_space<vmem>> -> memref<1x128xi32, #tpu.memory_space<vmem>>
    %dma_wait3A_151 = tpu.memref_squeeze %dma_wait3A_150 : memref<1x128xi32, #tpu.memory_space<vmem>> -> memref<128xi32, #tpu.memory_space<vmem>>
    %dma_wait3A_152 = arith.constant 0 : i32
    %dma_wait3A_153 = arith.constant 0 : i32
    %dma_wait3A_154 = tpu.memref_slice %arg2[%dma_wait3A_152, %dma_wait3A_153] : memref<2000x128xf32, #tpu.memory_space<hbm>> -> memref<2000x128xf32, #tpu.memory_space<hbm>>
    tpu.wait_indirect_dma semaphore(%arg7 : memref<!tpu.dma_semaphore, #tpu.memory_space<semaphore_mem>>) src(%dma_wait3A_154 : memref<2000x128xf32, #tpu.memory_space<hbm>>) dst(%dma_wait3A_148 : memref<128x128xf32, #tpu.memory_space<vmem>>)
    %dma_wait3A_155 = arith.constant 7 : i32
    %dma_wait3A_156 = arith.constant 384 : i32
    %dma_wait3A_157 = arith.constant 0 : i32
    %dma_wait3A_158 = tpu.memref_slice %arg6[%dma_wait3A_156, %dma_wait3A_157] : memref<512x128xf32, #tpu.memory_space<vmem>> -> memref<128x128xf32, #tpu.memory_space<vmem>>
    %dma_wait3A_159 = arith.constant 0 : i32
    %dma_wait3A_160 = tpu.memref_slice %arg5[%dma_wait3A_155, %dma_wait3A_159] : memref<8x128xi32, #tpu.memory_space<vmem>> -> memref<1x128xi32, #tpu.memory_space<vmem>>
    %dma_wait3A_161 = tpu.memref_squeeze %dma_wait3A_160 : memref<1x128xi32, #tpu.memory_space<vmem>> -> memref<128xi32, #tpu.memory_space<vmem>>
    %dma_wait3A_162 = arith.constant 0 : i32
    %dma_wait3A_163 = arith.constant 0 : i32
    %dma_wait3A_164 = tpu.memref_slice %arg2[%dma_wait3A_162, %dma_wait3A_163] : memref<2000x128xf32, #tpu.memory_space<hbm>> -> memref<2000x128xf32, #tpu.memory_space<hbm>>
    tpu.wait_indirect_dma semaphore(%arg7 : memref<!tpu.dma_semaphore, #tpu.memory_space<semaphore_mem>>) src(%dma_wait3A_164 : memref<2000x128xf32, #tpu.memory_space<hbm>>) dst(%dma_wait3A_158 : memref<128x128xf32, #tpu.memory_space<vmem>>)
    %mul3A_165 = arith.constant 1024 : i32
    %mul3A_166 = arith.muli %add3A, %mul3A_165 : i32
    %add3A_167 = arith.constant 512 : i32
    %add3A_168 = arith.addi %mul3A_166, %add3A_167 : i32
    "tpu.region"() ({
      %run_scoped3A = tpu.sem_alloc : memref<!tpu.dma_semaphore, #tpu.memory_space<semaphore_mem>>
      %dma_start3A_169 = arith.constant 0 : i32
      %dma_start3A_170 = arith.constant 0 : i32
      %dma_start3A_171 = tpu.memref_slice %arg6[%dma_start3A_169, %dma_start3A_170] : memref<512x128xf32, #tpu.memory_space<vmem>> -> memref<512x128xf32, #tpu.memory_space<vmem>>
      %dma_start3A_172 = arith.constant 0 : i32
      %dma_start3A_173 = tpu.memref_slice %arg4[%add3A_168, %dma_start3A_172] : memref<32768x128xf32, #tpu.memory_space<hbm>> -> memref<512x128xf32, #tpu.memory_space<hbm>>
      %dma_start3A_174 = arith.constant 0 : i32
      %dma_start3A_175 = tpu.memref_slice %arg4[%add3A_168, %dma_start3A_174] : memref<32768x128xf32, #tpu.memory_space<hbm>> -> memref<512x128xf32, #tpu.memory_space<hbm>>
      %dma_start3A_176 = arith.constant 0 : i32
      %dma_start3A_177 = arith.constant 0 : i32
      %dma_start3A_178 = tpu.memref_slice %arg6[%dma_start3A_176, %dma_start3A_177] : memref<512x128xf32, #tpu.memory_space<vmem>> -> memref<512x128xf32, #tpu.memory_space<vmem>>
      tpu.enqueue_dma source(%dma_start3A_178 : memref<512x128xf32, #tpu.memory_space<vmem>>) target(%dma_start3A_175 : memref<512x128xf32, #tpu.memory_space<hbm>>) target_semaphore(%run_scoped3A : memref<!tpu.dma_semaphore, #tpu.memory_space<semaphore_mem>>)
      %dma_wait3A_179 = arith.constant 0 : i32
      %dma_wait3A_180 = arith.constant 0 : i32
      %dma_wait3A_181 = tpu.memref_slice %arg6[%dma_wait3A_179, %dma_wait3A_180] : memref<512x128xf32, #tpu.memory_space<vmem>> -> memref<512x128xf32, #tpu.memory_space<vmem>>
      %dma_wait3A_182 = arith.constant 0 : i32
      %dma_wait3A_183 = tpu.memref_slice %arg4[%add3A_168, %dma_wait3A_182] : memref<32768x128xf32, #tpu.memory_space<hbm>> -> memref<512x128xf32, #tpu.memory_space<hbm>>
      %dma_wait3A_184 = arith.constant 0 : i32
      %dma_wait3A_185 = tpu.memref_slice %arg4[%add3A_168, %dma_wait3A_184] : memref<32768x128xf32, #tpu.memory_space<hbm>> -> memref<512x128xf32, #tpu.memory_space<hbm>>
      %dma_wait3A_186 = arith.constant 0 : i32
      %dma_wait3A_187 = arith.constant 0 : i32
      %dma_wait3A_188 = tpu.memref_slice %arg6[%dma_wait3A_186, %dma_wait3A_187] : memref<512x128xf32, #tpu.memory_space<vmem>> -> memref<512x128xf32, #tpu.memory_space<vmem>>
      tpu.wait_dma2 semaphore(%run_scoped3A : memref<!tpu.dma_semaphore, #tpu.memory_space<semaphore_mem>>) src(%dma_wait3A_188 : memref<512x128xf32, #tpu.memory_space<vmem>>) dst(%dma_wait3A_185 : memref<512x128xf32, #tpu.memory_space<hbm>>)
      tpu.yield
    }) : () -> ()
    return
  }
}

module attributes {stable_mosaic.version = 14 : i64} {
  func.func @_tc_body(%arg0: i32, %arg1: memref<4096x128xf32, #tpu.memory_space<vmem>>, %arg2: memref<2048x128xf32, #tpu.memory_space<vmem>>, %arg3: memref<2048x2xf32, #tpu.memory_space<vmem>>, %arg4: memref<259x1024xf32, #tpu.memory_space<vmem>>, %arg5: memref<1x1024xf32, #tpu.memory_space<vmem>>, %arg6: memref<1x1024xf32, #tpu.memory_space<vmem>>, %arg7: memref<2048x1024xf32, #tpu.memory_space<vmem>>) attributes {dimension_semantics = [#tpu.dimension_semantics<arbitrary>], iteration_bounds = array<i64: 8>, scalar_prefetch = 0 : i64, scratch_operands = 0 : i64, tpu.core_type = #tpu.core_type<tc>, window_params = [{transform_indices = @transform_0, window_bounds = array<i64: 4096, 128>}, {transform_indices = @transform_1, window_bounds = array<i64: 2048, 128>}, {transform_indices = @transform_2, window_bounds = array<i64: 2048, 2>}, {pipeline_mode = #tpu.pipeline_mode<synchronous>, transform_indices = @transform_3, window_bounds = array<i64: 259, 1024>}, {pipeline_mode = #tpu.pipeline_mode<synchronous>, transform_indices = @transform_4, window_bounds = array<i64: 1, 1024>}, {pipeline_mode = #tpu.pipeline_mode<synchronous>, transform_indices = @transform_5, window_bounds = array<i64: 1, 1024>}, {transform_indices = @transform_6, window_bounds = array<i64: 2048, 1024>}]} {
    %get3A = arith.constant 0 : index
    %get3A_0 = arith.constant 0 : index
    %get3A_1 = vector.load %arg1[%get3A, %get3A_0] : memref<4096x128xf32, #tpu.memory_space<vmem>>, vector<4096x128xf32>
    %broadcast_in_dim3A = arith.constant 1.000000e+00 : f32
    %broadcast_in_dim3A_2 = vector.broadcast %broadcast_in_dim3A : f32 to vector<2048x1xf32>
    %slice3A = vector.extract_strided_slice %get3A_1 {offsets = [0, 0], sizes = [2048, 64], strides = [1, 1]} : vector<4096x128xf32> to vector<2048x64xf32>
    %get3A_3 = arith.constant 0 : index
    %get3A_4 = arith.constant 0 : index
    %get3A_5 = vector.load %arg2[%get3A_3, %get3A_4] : memref<2048x128xf32, #tpu.memory_space<vmem>>, vector<2048x128xf32>
    %slice3A_6 = vector.extract_strided_slice %get3A_1 {offsets = [2048, 0], sizes = [2048, 64], strides = [1, 1]} : vector<4096x128xf32> to vector<2048x64xf32>
    %get3A_7 = arith.constant 0 : index
    %get3A_8 = arith.constant 0 : index
    %get3A_9 = vector.load %arg3[%get3A_7, %get3A_8] : memref<2048x2xf32, #tpu.memory_space<vmem>>, vector<2048x2xf32>
    %concatenate3A = tpu.concatenate %slice3A, %get3A_5, %slice3A_6, %get3A_9, %broadcast_in_dim3A_2 in 1 : vector<2048x64xf32>, vector<2048x128xf32>, vector<2048x64xf32>, vector<2048x2xf32>, vector<2048x1xf32> -> vector<2048x259xf32>
    %get3A_10 = arith.constant 0 : index
    %get3A_11 = arith.constant 0 : index
    %get3A_12 = vector.load %arg4[%get3A_10, %get3A_11] : memref<259x1024xf32, #tpu.memory_space<vmem>>, vector<259x1024xf32>
    %dot_general3A = arith.constant dense<0.000000e+00> : vector<2048x1024xf32>
    %dot_general3A_13 = tpu.matmul %concatenate3A, %get3A_12, %dot_general3A {dimension_numbers = #tpu.dot_dimension_numbers<[1], [0], [0], [1], [0, 0, 1, 1], [], []>, transpose_lhs_hint = false} : vector<2048x259xf32>, vector<259x1024xf32>, vector<2048x1024xf32> -> vector<2048x1024xf32>
    %erf3A = math.erf %dot_general3A_13 : vector<2048x1024xf32>
    %add3A = arith.constant 1.000000e+00 : f32
    %add3A_14 = vector.broadcast %add3A : f32 to vector<2048x1024xf32>
    %add3A_15 = arith.addf %add3A_14, %erf3A : vector<2048x1024xf32>
    %mul3A = arith.mulf %dot_general3A_13, %add3A_15 : vector<2048x1024xf32>
    %mul3A_16 = arith.mulf %mul3A, %mul3A : vector<2048x1024xf32>
    %reduce_sum3A = arith.constant dense<0.000000e+00> : vector<2048xf32>
    %reduce_sum3A_17 = vector.multi_reduction <add>, %mul3A, %reduce_sum3A [1] : vector<2048x1024xf32> to vector<2048xf32>
    %broadcast_in_dim3A_18 = vector.shape_cast %reduce_sum3A_17 : vector<2048xf32> to vector<2048x1xf32>
    %reduce_sum3A_19 = arith.constant dense<0.000000e+00> : vector<2048xf32>
    %reduce_sum3A_20 = vector.multi_reduction <add>, %mul3A_16, %reduce_sum3A_19 [1] : vector<2048x1024xf32> to vector<2048xf32>
    %broadcast_in_dim3A_21 = vector.shape_cast %reduce_sum3A_20 : vector<2048xf32> to vector<2048x1xf32>
    %mul3A_22 = arith.constant 9.765625E-4 : f32
    %mul3A_23 = vector.broadcast %mul3A_22 : f32 to vector<2048x1xf32>
    %mul3A_24 = arith.mulf %broadcast_in_dim3A_18, %mul3A_23 : vector<2048x1xf32>
    %mul3A_25 = arith.constant 9.765625E-4 : f32
    %mul3A_26 = vector.broadcast %mul3A_25 : f32 to vector<2048x1xf32>
    %mul3A_27 = arith.mulf %broadcast_in_dim3A_21, %mul3A_26 : vector<2048x1xf32>
    %mul3A_28 = arith.mulf %mul3A_24, %mul3A_24 : vector<2048x1xf32>
    %sub3A = arith.subf %mul3A_27, %mul3A_28 : vector<2048x1xf32>
    %mul3A_29 = arith.constant 5.000000e-01 : f32
    %mul3A_30 = vector.broadcast %mul3A_29 : f32 to vector<2048x1xf32>
    %mul3A_31 = arith.mulf %sub3A, %mul3A_30 : vector<2048x1xf32>
    %add3A_32 = arith.constant 9.99999974E-6 : f32
    %add3A_33 = vector.broadcast %add3A_32 : f32 to vector<2048x1xf32>
    %add3A_34 = arith.addf %mul3A_31, %add3A_33 : vector<2048x1xf32>
    %sqrt3A = math.sqrt %add3A_34 : vector<2048x1xf32>
    %div3A = arith.constant 0.707106769 : f32
    %div3A_35 = vector.broadcast %div3A : f32 to vector<2048x1xf32>
    %div3A_36 = arith.divf %div3A_35, %sqrt3A : vector<2048x1xf32>
    %sub3A_37 = vector.broadcast %mul3A_24 : vector<2048x1xf32> to vector<2048x1024xf32>
    %sub3A_38 = arith.subf %mul3A, %sub3A_37 : vector<2048x1024xf32>
    %mul3A_39 = vector.broadcast %div3A_36 : vector<2048x1xf32> to vector<2048x1024xf32>
    %mul3A_40 = arith.mulf %sub3A_38, %mul3A_39 : vector<2048x1024xf32>
    %get3A_41 = arith.constant 0 : index
    %get3A_42 = arith.constant 0 : index
    %get3A_43 = vector.load %arg5[%get3A_41, %get3A_42] : memref<1x1024xf32, #tpu.memory_space<vmem>>, vector<1x1024xf32>
    %mul3A_44 = vector.broadcast %get3A_43 : vector<1x1024xf32> to vector<2048x1024xf32>
    %mul3A_45 = arith.mulf %mul3A_40, %mul3A_44 : vector<2048x1024xf32>
    %get3A_46 = arith.constant 0 : index
    %get3A_47 = arith.constant 0 : index
    %get3A_48 = vector.load %arg6[%get3A_46, %get3A_47] : memref<1x1024xf32, #tpu.memory_space<vmem>>, vector<1x1024xf32>
    %add3A_49 = vector.broadcast %get3A_48 : vector<1x1024xf32> to vector<2048x1024xf32>
    %add3A_50 = arith.addf %mul3A_45, %add3A_49 : vector<2048x1024xf32>
    %swap3A = arith.constant 0 : index
    %swap3A_51 = arith.constant 0 : index
    %swap3A_52 = vector.load %arg7[%swap3A, %swap3A_51] : memref<2048x1024xf32, #tpu.memory_space<vmem>>, vector<2048x1024xf32>
    tpu.vector_store %arg7[%swap3A, %swap3A_51], %add3A_50 {strides = array<i32>} : memref<2048x1024xf32, #tpu.memory_space<vmem>>, vector<2048x1024xf32>,
    return
  }
  func.func @transform_0(%arg0: i32) -> (i32, i32) {
    %c0_i32 = arith.constant 0 : i32
    %c0_i32_0 = arith.constant 0 : i32
    return %arg0, %c0_i32 : i32, i32
  }
  func.func @transform_1(%arg0: i32) -> (i32, i32) {
    %c0_i32 = arith.constant 0 : i32
    %c0_i32_0 = arith.constant 0 : i32
    return %arg0, %c0_i32 : i32, i32
  }
  func.func @transform_2(%arg0: i32) -> (i32, i32) {
    %c0_i32 = arith.constant 0 : i32
    %c0_i32_0 = arith.constant 0 : i32
    return %arg0, %c0_i32 : i32, i32
  }
  func.func @transform_3(%arg0: i32) -> (i32, i32) {
    %c0_i32 = arith.constant 0 : i32
    %c0_i32_0 = arith.constant 0 : i32
    %c0_i32_1 = arith.constant 0 : i32
    return %c0_i32, %c0_i32_0 : i32, i32
  }
  func.func @transform_4(%arg0: i32) -> (i32, i32) {
    %c0_i32 = arith.constant 0 : i32
    %c0_i32_0 = arith.constant 0 : i32
    %c0_i32_1 = arith.constant 0 : i32
    return %c0_i32, %c0_i32_0 : i32, i32
  }
  func.func @transform_5(%arg0: i32) -> (i32, i32) {
    %c0_i32 = arith.constant 0 : i32
    %c0_i32_0 = arith.constant 0 : i32
    %c0_i32_1 = arith.constant 0 : i32
    return %c0_i32, %c0_i32_0 : i32, i32
  }
  func.func @transform_6(%arg0: i32) -> (i32, i32) {
    %c0_i32 = arith.constant 0 : i32
    %c0_i32_0 = arith.constant 0 : i32
    return %arg0, %c0_i32 : i32, i32
  }
}

</mosaic_0001>

<sc_bundles>
// kernel: kernel.5.cloned.1.call-start
scs
__scs_entry_jumppad:
0x0: {  	(pc) =	sbr.rel $0x88, $3  }
0x1: {  	(tag) =	ssettag $0x0;
	lr =	simm.s32 $0x1  }
0x2: {  	[smem:$0x3F91] =	sst lr;
	_ =	strace $0xD0000000  }
0x3: {  	_ = 	snop  }
0x4: {  	_ = 	snop  }
0x5: {  	_ = 	snop  }
0x6: {  	_ = 	snop  }
0x7: {  	_ = 	snop  }
__scs_overlays_trampoline_lowered:
0x8: {  	[smem:$0x3FA0] =	sst s0  }
0x9: {  	[smem:$0x3FA1] =	sst s1  }
0xa: {  	[smem:$0x3FA2] =	sst s2  }
0xb: {  	[smem:$0x3FA3] =	sst s3  }
0xc: {  	[smem:$0x3FA4] =	sst s4  }
0xd: {  	[smem:$0x3FA5] =	sst s5  }
0xe: {  	[smem:$0x3FA6] =	sst s6  }
0xf: {  	[smem:$0x3FA7] =	sst s7  }
0x10: {  	[smem:$0x3FA8] =	sst s8  }
0x11: {  	[smem:$0x3FA9] =	sst s9;
	s0 =	simm.s32 @!p0 $0x0  }
0x12: {  	s1 =	sld [smem:$0x3F8F];
	s0 =	simm.s32 @p0 $0x1  }
0x13: {  	[smem:$0x3FAA] =	sst s0;
	s0 =	simm.s32 @!p1 $0x0  }
0x14: {  	s2 =	sld [smem:$0x3F8E];
	s0 =	simm.s32 @p1 $0x1  }
0x15: {  	[smem:$0x3FAB] =	sst s0;
	s0 =	simm.s32 @!p2 $0x0  }
0x16: {  	s3 =	sld [smem:$0x3FDB];
	s0 =	simm.s32 @p2 $0x1  }
0x17: {  	s4 =	simm.s32 $0x1BF5;
	[smem:$0x3FAD] =	sst s0  }
0x18: {  	s0 =	sld [smem:$0x3F90];
	_ =	swait.ge [sflag:s4], $0x0  }
0x19: {  	s7 =	sld [smem:$0x3F91]  }
0x1a: {  	s8 =	sadd.s32 $0xFFFFE003, lr  }
0x1b: {  	s9 =	sadd.s32 $0xFFFFFEF7, lr;
	s5 =	simm.s32 $0xFFFFFFFF;
	p2 =	slt.u32 s8, $0xFFFFF086  }
0x1c: {  	p1 =	slt.u32 s9, $0xF7A;
	s5 =	simm.s32 @!p2 $0x0  }
0x1d: {  	s5 =	simm.s32 @p1 $0x1;
	p0 =	seq.s32 s7, s2  }
0x1e: {  	s7 =	smul.u32 @!p0 $0xF7A, s2;
	p2 =	seq.s32 @!p0 s5, $0x0  }
0x1f: {  	s9 =	smul.u32 $0xF7A, s1;
	s8 =	simm.s32 @!p0 $0x1BF5;
	p2 =	por !p2, p0  }
0x20: {  	[sflag:s8] =	ssyncset.s32 @!p0 $0xFFFFF086;
	s6 =	sadd.s32 @!p0 s3, s7;
	s7 =	simm.s32 @!p0 $0x108  }
0x21: {  	s3 =	sadd.s32 s3, s9;
	s6 =	sadd.s32 @!p0 $0x88, s6;
	s7 =	simm.s32 @p2 $0x1082  }
0x22: {  	[simem:s7], [sflag:s8] =	dma.local @!p0 [hbm:s6], $0xF7A  }
0x23: {  	s9 =	sor.u32 $0xD0000000, s2;
	s6 =	simm.s32 $0x108;
	_ =	swait.ge @!p0 [sflag:s8], $0x0  }
0x24: {  	s3 =	sadd.s32 $0x88, s3;
	s6 =	simm.s32 @!p1 $0x1082;
	[sflag:s4] =	ssyncset.s32 $0xFFFFF086  }
0x25: {  	[simem:s6], [sflag:s4] =	dma.local [hbm:s3], $0xF7A  }
0x26: {  	[smem:$0x3F91] =	sst s1;
	(tag) =	ssettag s2;
	_ =	strace s9  }
0x27: {  	s1 =	sld [smem:$0x3FA1]  }
0x28: {  	s2 =	sld [smem:$0x3FA2]  }
0x29: {  	s4 =	sld [smem:$0x3FA4]  }
0x2a: {  	p0 =	seq.s32 s5, $0x0;
	s5 =	sld [smem:$0x3FA5]  }
0x2b: {  	s6 =	sld [smem:$0x3FA6]  }
0x2c: {  	s7 =	sld [smem:$0x3FA7]  }
0x2d: {  	s3 =	simm.s32 $0x108;
	s8 =	sld [smem:$0x3FA8]  }
0x2e: {  	s3 =	simm.s32 @!p0 $0x1082;
	s9 =	sld [smem:$0x3FA9]  }
0x2f: {  	lr =	sadd.s32 s0, s3;
	s0 =	sld [smem:$0x3FA0]  }
0x30: {  	s3 =	sld [smem:$0x3FA3]  }
0x31: {  	[smem:$0x3FAC] =	sst s10  }
0x32: {  	s10 =	sld [smem:$0x3FAA];
	_ =	sdelay $0x3  }
0x33: {  	p0 =	seq.s32 s10, $0x1;
	s10 =	sld [smem:$0x3FAC];
	_ =	sdelay $0x3  }
0x34: {  	[smem:$0x3FAC] =	sst s10  }
0x35: {  	s10 =	sld [smem:$0x3FAB];
	_ =	sdelay $0x3  }
0x36: {  	p1 =	seq.s32 s10, $0x1;
	s10 =	sld [smem:$0x3FAC];
	_ =	sdelay $0x3  }
0x37: {  	[smem:$0x3FAC] =	sst s10  }
0x38: {  	s10 =	sld [smem:$0x3FAD]  }
0x39: {  	_ = 	snop;
	(pc) =	sbr.ind lr, $3  }
0x3a: {  	_ = 	snop  }
0x3b: {  	_ = 	snop  }
0x3c: {  	p2 =	seq.s32 s10, $0x1;
	s10 =	sld [smem:$0x3FAC]  }
0x3d: {  	_ =	shalt  }
0x3e: {  	_ =	shalt  }
0x3f: {  	_ =	shalt  }
0x40: {  	_ =	shalt  }
0x41: {  	_ =	shalt  }
0x42: {  	_ =	shalt  }
0x43: {  	_ =	shalt  }
0x44: {  	_ =	shalt  }
0x45: {  	_ =	shalt  }
0x46: {  	_ =	shalt  }
0x47: {  	_ =	shalt  }
0x48: {  	_ =	shalt  }
0x49: {  	_ =	shalt  }
0x4a: {  	_ =	shalt  }
0x4b: {  	_ =	shalt  }
0x4c: {  	_ =	shalt  }
0x4d: {  	_ =	shalt  }
0x4e: {  	_ =	shalt  }
0x4f: {  	_ =	shalt  }
0x50: {  	_ =	shalt  }
0x51: {  	_ =	shalt  }
0x52: {  	_ =	shalt  }
0x53: {  	_ =	shalt  }
0x54: {  	_ =	shalt  }
0x55: {  	_ =	shalt  }
0x56: {  	_ =	shalt  }
0x57: {  	_ =	shalt  }
0x58: {  	_ =	shalt  }
0x59: {  	_ =	shalt  }
0x5a: {  	_ =	shalt  }
0x5b: {  	_ =	shalt  }
0x5c: {  	_ =	shalt  }
0x5d: {  	_ =	shalt  }
0x5e: {  	_ =	shalt  }
0x5f: {  	_ =	shalt  }
0x60: {  	_ =	shalt  }
0x61: {  	_ =	shalt  }
0x62: {  	_ =	shalt  }
0x63: {  	_ =	shalt  }
0x64: {  	_ =	shalt  }
0x65: {  	_ =	shalt  }
0x66: {  	_ =	shalt  }
0x67: {  	_ =	shalt  }
0x68: {  	_ =	shalt  }
0x69: {  	_ =	shalt  }
0x6a: {  	_ =	shalt  }
0x6b: {  	_ =	shalt  }
0x6c: {  	_ =	shalt  }
0x6d: {  	_ =	shalt  }
0x6e: {  	_ =	shalt  }
0x6f: {  	_ =	shalt  }
0x70: {  	_ =	shalt  }
0x71: {  	_ =	shalt  }
0x72: {  	_ =	shalt  }
0x73: {  	_ =	shalt  }
0x74: {  	_ =	shalt  }
0x75: {  	_ =	shalt  }
0x76: {  	_ =	shalt  }
0x77: {  	_ =	shalt  }
0x78: {  	_ =	shalt  }
0x79: {  	_ =	shalt  }
0x7a: {  	_ =	shalt  }
0x7b: {  	_ =	shalt  }
0x7c: {  	_ =	shalt  }
0x7d: {  	_ =	shalt  }
0x7e: {  	_ =	shalt  }
0x7f: {  	_ =	shalt  }
0x80: {  	_ =	shalt  }
0x81: {  	_ =	shalt  }
0x82: {  	_ =	shalt  }
0x83: {  	_ =	shalt  }
0x84: {  	_ =	shalt  }
0x85: {  	_ =	shalt  }
0x86: {  	_ =	shalt  }
0x87: {  	_ =	shalt  }
.Lfunc_end0:
.L_simem_size_0:
called_computation_lowered:
.L_overlay_start_0:
0x88: {  	s2 =	sld [smem:$0x3FD9]  }
0x89: {  	s3 =	sld [smem:$0x3FFE];
	_ =	sdelay $0x1  }
0x8a: {  	s1 =	srdreg.scid  }
0x8b: {  	s0 =	sand.u32 $0x1, s1  }
0x8c: {  	s17 =	sshll.u32 s0, $0xA;
	s2 =	sadd.s32 s3, s2  }
0x8d: {  	s2 =	sadd.s32 s2, s17  }
0x8e: {  	[smem:$0x3FB8] =	sst s2  }
0x8f: {  	_ = 	snop  }
0x90: {  	(tm) =	ssettm $0x1  }
0x91: {  	s18 =	sld [smem:$0x3FFB];
	_ =	sdelay $0x3  }
0x92: {  	_ =	strace s18  }
0x93: {  	s2 =	sld [smem:$0x3FFC];
	_ =	sdelay $0x3  }
0x94: {  	_ =	strace s2  }
0x95: {  	s2 =	sld [smem:$0x3FFD];
	_ =	sdelay $0x3  }
0x96: {  	_ =	strace s2  }
0x97: {  	_ =	strace $0x8FFFFFFF  }
0x98: {  	s19 =	sld [smem:$0x3FDB];
	_ =	sdelay $0x1  }
0x99: {  	s20 =	simm.s32 $_scs_section_size  }
0x9a: {  	s4 =	simm.s32 $_size__tile_overlayer_lowered;
	s5 =	simm.s32 $_tile_overlayer_lowered  }
0x9b: {  	s6 =	simm.s32 $0x1BFF;
	s21 =	sshll.u32 s5, $0x1;
	s3 =	sadd.s32 s20, s19  }
0x9c: {  	s22 =	simm.s32 $0x0;
	s4 =	sshll.u32 s4, $0x1;
	s5 =	sadd.s32 s21, s3  }
0x9d: {  	[timem:s22], [sflag:s6] =	dma.local [hbm:s5], s4  }
0x9e: {  	_ =	swait.ge [sflag:s6], s4  }
0x9f: {  	s4 =	ssub.s32 $0x0, s4;
	[sflag:s6] =	ssyncset.done $0x0  }
0xa0: {  	[sflag:s6] =	ssyncadd.s32 s4;
	_ =	sdelay $0x1  }
0xa1: {  	s23 =	simm.s32 $0x1B8B  }
0xa2: {  	_ =	swait.ge [sflag:s23], $0x1  }
0xa3: {  	[sflag:s23] =	ssyncset.done $0x0  }
0xa4: {  	[sflag:s23] =	ssyncadd.s32 $0xFFFFFFFF  }
0xa5: {  	s4 =	sld [smem:$0x0]  }
0xa6: {  	s5 =	sand.u32 $0xFFFFFFFE, s1  }
0xa7: {  	p0 =	sne.s32 s1, s5  }
0xa8: {  	s5 =	sshll.u32 @p0 s5, $0xE  }
0xa9: {  	s5 =	sadd.s32 @p0 $0x11B8D, s5;
	s6 =	sshll.u32 @p0 s4, $0x11  }
0xaa: {  	s5 =	sor.u32 @p0 s6, s5  }
0xab: {  	[sflag:s5] =	ssyncadd.remote.s32 @p0 $0x1;
	_ =	sdelay $0x1  }
0xac: {  	s5 =	simm.s32 @p0 $0x1B8D  }
0xad: {  	_ =	swait.eq @p0 [sflag:s5], $0x1  }
0xae: {  	[sflag:s5] =	ssyncadd.s32 @p0 $0xFFFFFFFF  }
0xaf: {  	s6 =	sshll.u32 @!p0 s1, $0xE  }
0xb0: {  	s6 =	sor.u32 @!p0 $0x4000, s6;
	s5 =	simm.s32 @!p0 $0x1B8D  }
0xb1: {  	s4 =	sshll.u32 @!p0 s4, $0x11;
	s6 =	sadd.s32 @!p0 $0x11B8D, s6;
	_ =	swait.eq @!p0 [sflag:s5], $0x1  }
0xb2: {  	s4 =	sor.u32 @!p0 s4, s6;
	[sflag:s5] =	ssyncadd.s32 @!p0 $0xFFFFFFFF  }
0xb3: {  	s25 =	simm.s32 $0x1B8E;
	s24 =	sld [smem:$0x3FFE];
	[sflag:s4] =	ssyncadd.remote.s32 @!p0 $0x1  }
0xb4: {  	s26 =	simm.s32 $execute0_lowered;
	[smem:$0x3FD2] =	sst s25  }
0xb5: {  	s5 =	sshll.u32 s26, $0x1;
	_ =	strace $0x80000049;
	[dreg:$0x1] =	wrdreg $0xFFFFFFFF  }
0xb6: {  	s28 =	simm.s32 $_size_execute0_lowered;
	s3 =	sadd.s32 s3, s5;
	[dreg:$0x0] =	wrdreg $0x0  }
0xb7: {  	s5 =	sshll.u32 s28, $0x1;
	[dreg:$0x2] =	wrdreg s3  }
0xb8: {  	[dreg:$0x3] =	wrdreg s5  }
0xb9: {  	[dreg:$0x4] =	wrdreg $0xC0  }
0xba: {  	_ =	task [dreg:s22], $0x5FFFF  }
0xbb: {  	[dreg:$0x1] =	wrdreg $0xFFFFFFFF  }
0xbc: {  	[dreg:$0x0] =	wrdreg $0x60  }
0xbd: {  	[dreg:$0x2] =	wrdreg s24  }
0xbe: {  	[dreg:$0x3] =	wrdreg $0x9  }
0xbf: {  	_ =	task.clear_ibuf [dreg:s22], $0x4FFFF;
	_ =	strace $0x90000049  }
0xc0: {  	s29 =	simm.s32 $0x9;
	_ =	strace $0x8000004B  }
0xc1: {  	_ =	swait.ge [sflag:s29], $0x1  }
0xc2: {  	[sflag:s29] =	ssyncadd.s32 $0xFFFFFFFF  }
0xc3: {  	_ =	strace $0x9000004B  }
0xc4: {  	_ =	sfence  }
0xc5: {  	s30 =	sld [smem:$0x0];
	_ =	sdelay $0x2  }
0xc6: {  	s31 =	sshll.u32 s1, $0xD;
	s1 =	sshrl.u32 s1, $0x2  }
0xc7: {  	s4 =	sand.u32 $0x4000, s31;
	s1 =	sadd.s32 s1, s30  }
0xc8: {  	s0 =	sor.u32 s4, s0;
	s1 =	sshll.u32 s1, $0x11  }
0xc9: {  	s0 =	sor.u32 s1, s0  }
0xca: {  	s0 =	sadd.s32 $0x8F2B, s0  }
0xcb: {  	[sflag:s0] =	ssyncadd.remote.s32 $0x1  }
0xcc: {  	_ =	sfence.sel $0xFFFF  }
0xcd: {  	[dreg:$0x0] =	wrdreg $0xFFFFFFFF;
	(pc) =	sbr.abs _section_cstart, $3  }
0xce: {  	[dreg:$0x1] =	wrdreg $0xFFFFFFFF  }
0xcf: {  	_ =	task.clear_ibuf [dreg:s22], $0x2FFFF;
	_ =	strace $0x9FFFFFFF  }
0xd0: {  	(tm) =	ssettm $0x7FFFFFFF  }
0xd1: {  	_ =	shalt  }
tec
execute0_lowered:
.L_overlay_start_1:
0x0: {  	(tag) =	ssettag $0x1  }
0x1: {  	s1 =	srdreg.scid;
	s0 =	stileid.u32  }
0x2: {  	s19 =	sand.u32 $0x1, s1;
	s30 =	sshll.u32 s0, $0x1  }
0x3: {  	s14 =	rddreg [dreg:$0x0];
	s15 =	sor.u32 s19, s30  }
0x4: {  	s2 =	simm.s32 $0x0;
	s1 =	rddreg [dreg:$0x1];
	s3 =	sshll.u32 s15, $0x7  }
0x5: {  	[smem:$0x7FF] =	sst s2;
	s3 =	sadd.s32 s3, s14  }
0x6: {  	_ =	strace $0x8000004A;
	s4 =	sadd.s32 $0x2A00, s3;
	s3 =	simm.s32 $0x2  }
0x7: {  	[tilespmem:s2], [sflag:$0x2] =	stream.linear.gather [hbm4b:s4+s2], $0x400, $0x38;
	[tilespmem:$0x10400] =	vst v63  }
0x8: {  	_ =	swait.ge [sflag:s3], $0x400  }
0x9: {  	s6 =	simm.s32 $0x80;
	[sflag:s3] =	ssyncset.done $0x0  }
0xa: {  	s7 =	simm.s32 $0x400;
	s5 =	sadd.s32 $0x3A00, s14;
	[sflag:s3] =	ssyncadd.s32 $0xFFFFFC00  }
0xb: {  	[tilespmem:s7], [sflag:$0x1] =	stream.indirect.gather [hbm4b:s5+s6], $0x80, s2, s6, $0xb8;
	[tilespmem:$0x10400] =	vst v63  }
0xc: {  	s8 =	simm.s32 $0x4400  }
0xd: {  	[tilespmem:s8], [sflag:$0x1] =	stream.indirect.gather [hbm4b:s5+s6], $0x80, s6, s6, $0xb8;
	[tilespmem:$0x10400] =	vst v63  }
0xe: {  	s9 =	simm.s32 $0x100;
	s10 =	simm.s32 $0x8400  }
0xf: {  	[tilespmem:s10], [sflag:$0x1] =	stream.indirect.gather [hbm4b:s5+s6], $0x80, s9, s6, $0xb8;
	[tilespmem:$0x10400] =	vst v63  }
0x10: {  	s11 =	simm.s32 $0x180;
	s12 =	simm.s32 $0xC400;
	s13 =	simm.s32 $0x1  }
0x11: {  	[tilespmem:s12], [sflag:$0x1] =	stream.indirect.gather [hbm4b:s5+s6], $0x80, s11, s6, $0xb8;
	[tilespmem:$0x10400] =	vst v63  }
0x12: {  	_ =	swait.ge [sflag:s13], $0x4000  }
0x13: {  	[sflag:s13] =	ssyncset.done $0x0  }
0x14: {  	[sflag:s13] =	ssyncadd.s32 $0xFFFFC000  }
0x15: {  	_ =	swait.ge [sflag:s13], $0x4000  }
0x16: {  	[sflag:s13] =	ssyncset.done $0x0  }
0x17: {  	[sflag:s13] =	ssyncadd.s32 $0xFFFFC000  }
0x18: {  	_ =	swait.ge [sflag:s13], $0x4000  }
0x19: {  	[sflag:s13] =	ssyncset.done $0x0  }
0x1a: {  	[sflag:s13] =	ssyncadd.s32 $0xFFFFC000  }
0x1b: {  	s15 =	sshll.u32 s15, $0xE;
	_ =	swait.ge [sflag:s13], $0x4000  }
0x1c: {  	s20 =	sadd.s32 s15, s14;
	[sflag:s13] =	ssyncset.done $0x0  }
0x1d: {  	s14 =	sadd.s32 $0xB800, s20;
	[sflag:s13] =	ssyncadd.s32 $0xFFFFC000  }
0x1e: {  	[hbm4b:s14+s2] =	stream.linear.scatter [tilespmem:s7], [sflag:$0x2], $0x10000, $0x38;
	[tilespmem:$0x10400] =	vst v63  }
0x1f: {  	_ =	swait.ge [sflag:s3], $0x10000  }
0x20: {  	[sflag:s3] =	ssyncset.done $0x0  }
0x21: {  	s15 =	simm.s32 $0x200;
	[sflag:s3] =	ssyncadd.s32 $0xFFFF0000  }
0x22: {  	[tilespmem:s7], [sflag:$0x1] =	stream.indirect.gather [hbm4b:s5+s6], $0x80, s15, s6, $0xb8;
	[tilespmem:$0x10400] =	vst v63  }
0x23: {  	s16 =	simm.s32 $0x280  }
0x24: {  	[tilespmem:s8], [sflag:$0x1] =	stream.indirect.gather [hbm4b:s5+s6], $0x80, s16, s6, $0xb8;
	[tilespmem:$0x10400] =	vst v63  }
0x25: {  	s17 =	simm.s32 $0x300  }
0x26: {  	[tilespmem:s10], [sflag:$0x1] =	stream.indirect.gather [hbm4b:s5+s6], $0x80, s17, s6, $0xb8;
	[tilespmem:$0x10400] =	vst v63  }
0x27: {  	s18 =	simm.s32 $0x380  }
0x28: {  	[tilespmem:s12], [sflag:$0x1] =	stream.indirect.gather [hbm4b:s5+s6], $0x80, s18, s6, $0xb8;
	[tilespmem:$0x10400] =	vst v63  }
0x29: {  	_ =	swait.ge [sflag:s13], $0x4000  }
0x2a: {  	[sflag:s13] =	ssyncset.done $0x0  }
0x2b: {  	[sflag:s13] =	ssyncadd.s32 $0xFFFFC000  }
0x2c: {  	_ =	swait.ge [sflag:s13], $0x4000  }
0x2d: {  	[sflag:s13] =	ssyncset.done $0x0  }
0x2e: {  	s19 =	ssub.s32 $0x2, s19;
	[sflag:s13] =	ssyncadd.s32 $0xFFFFC000  }
0x2f: {  	s21 =	sshrl.u32 s19, $0x1;
	_ =	swait.ge [sflag:s13], $0x4000  }
0x30: {  	s21 =	ssub.s32 s19, s21;
	[sflag:s13] =	ssyncset.done $0x0  }
0x31: {  	s31 =	smax.u32 s21, $0x1;
	[sflag:s13] =	ssyncadd.s32 $0xFFFFC000  }
0x32: {  	p0 =	sne.s32 s31, $0x1;
	_ =	swait.ge [sflag:s13], $0x4000  }
.Ltmp0:
0x33: {  	[sflag:s13] =	ssyncset.done $0x0;
	(pc) =	sbr.rel @!p0 .LBB2_2-.Ltmp0, $4  }
0x34: {  	s19 =	sadd.s32 $0xD800, s20;
	[sflag:s13] =	ssyncadd.s32 $0xFFFFC000  }
0x35: {  	[hbm4b:s19+s2] =	stream.linear.scatter [tilespmem:s7], [sflag:$0x2], $0x10000, $0x38;
	[tilespmem:$0x10400] =	vst v63  }
0x36: {  	_ =	swait.ge [sflag:s3], $0x10000  }
0x37: {  	s20 =	sadd.s32 $0xFFFFFFFF, s31;
	[sflag:s3] =	ssyncset.done $0x0  }
.LBB2_1:
0x38: {  	p0 =	sne.s32 s20, $0x1;
	s20 =	sadd.s32 $0xFFFFFFFF, s20;
	[sflag:s3] =	ssyncadd.s32 $0xFFFF0000  }
0x39: {  	[tilespmem:s2], [sflag:$0x2] =	stream.linear.gather [hbm4b:s4+s2], $0x400, $0x38;
	[tilespmem:$0x10400] =	vst v63  }
0x3a: {  	_ =	swait.ge [sflag:s3], $0x400  }
0x3b: {  	[sflag:s3] =	ssyncset.done $0x0  }
0x3c: {  	[sflag:s3] =	ssyncadd.s32 $0xFFFFFC00  }
0x3d: {  	[tilespmem:s7], [sflag:$0x1] =	stream.indirect.gather [hbm4b:s5+s6], $0x80, s2, s6, $0xb8;
	[tilespmem:$0x10400] =	vst v63  }
0x3e: {  	_ = 	snop  }
0x3f: {  	[tilespmem:s8], [sflag:$0x1] =	stream.indirect.gather [hbm4b:s5+s6], $0x80, s6, s6, $0xb8;
	[tilespmem:$0x10400] =	vst v63  }
0x40: {  	_ = 	snop  }
0x41: {  	[tilespmem:s10], [sflag:$0x1] =	stream.indirect.gather [hbm4b:s5+s6], $0x80, s9, s6, $0xb8;
	[tilespmem:$0x10400] =	vst v63  }
0x42: {  	_ = 	snop  }
0x43: {  	[tilespmem:s12], [sflag:$0x1] =	stream.indirect.gather [hbm4b:s5+s6], $0x80, s11, s6, $0xb8;
	[tilespmem:$0x10400] =	vst v63  }
0x44: {  	_ =	swait.ge [sflag:s13], $0x4000  }
0x45: {  	[sflag:s13] =	ssyncset.done $0x0  }
0x46: {  	[sflag:s13] =	ssyncadd.s32 $0xFFFFC000  }
0x47: {  	_ =	swait.ge [sflag:s13], $0x4000  }
0x48: {  	[sflag:s13] =	ssyncset.done $0x0  }
0x49: {  	[sflag:s13] =	ssyncadd.s32 $0xFFFFC000  }
0x4a: {  	_ =	swait.ge [sflag:s13], $0x4000  }
0x4b: {  	[sflag:s13] =	ssyncset.done $0x0  }
0x4c: {  	[sflag:s13] =	ssyncadd.s32 $0xFFFFC000  }
0x4d: {  	_ =	swait.ge [sflag:s13], $0x4000  }
0x4e: {  	[sflag:s13] =	ssyncset.done $0x0  }
0x4f: {  	[sflag:s13] =	ssyncadd.s32 $0xFFFFC000  }
0x50: {  	[hbm4b:s14+s2] =	stream.linear.scatter [tilespmem:s7], [sflag:$0x2], $0x10000, $0x38;
	[tilespmem:$0x10400] =	vst v63  }
0x51: {  	_ =	swait.ge [sflag:s3], $0x10000  }
0x52: {  	[sflag:s3] =	ssyncset.done $0x0  }
0x53: {  	[sflag:s3] =	ssyncadd.s32 $0xFFFF0000  }
0x54: {  	[tilespmem:s7], [sflag:$0x1] =	stream.indirect.gather [hbm4b:s5+s6], $0x80, s15, s6, $0xb8;
	[tilespmem:$0x10400] =	vst v63  }
0x55: {  	_ = 	snop  }
0x56: {  	[tilespmem:s8], [sflag:$0x1] =	stream.indirect.gather [hbm4b:s5+s6], $0x80, s16, s6, $0xb8;
	[tilespmem:$0x10400] =	vst v63  }
0x57: {  	_ = 	snop  }
0x58: {  	[tilespmem:s10], [sflag:$0x1] =	stream.indirect.gather [hbm4b:s5+s6], $0x80, s17, s6, $0xb8;
	[tilespmem:$0x10400] =	vst v63  }
0x59: {  	_ = 	snop  }
0x5a: {  	[tilespmem:s12], [sflag:$0x1] =	stream.indirect.gather [hbm4b:s5+s6], $0x80, s18, s6, $0xb8;
	[tilespmem:$0x10400] =	vst v63  }
0x5b: {  	_ =	swait.ge [sflag:s13], $0x4000  }
0x5c: {  	[sflag:s13] =	ssyncset.done $0x0  }
0x5d: {  	[sflag:s13] =	ssyncadd.s32 $0xFFFFC000  }
0x5e: {  	_ =	swait.ge [sflag:s13], $0x4000  }
0x5f: {  	[sflag:s13] =	ssyncset.done $0x0  }
0x60: {  	[sflag:s13] =	ssyncadd.s32 $0xFFFFC000  }
0x61: {  	_ =	swait.ge [sflag:s13], $0x4000  }
0x62: {  	[sflag:s13] =	ssyncset.done $0x0  }
0x63: {  	[sflag:s13] =	ssyncadd.s32 $0xFFFFC000  }
0x64: {  	_ =	swait.ge [sflag:s13], $0x4000  }
.Ltmp1:
0x65: {  	[sflag:s13] =	ssyncset.done $0x0;
	(pc) =	sbr.rel @p0 .LBB2_1-.Ltmp1, $4  }
0x66: {  	[sflag:s13] =	ssyncadd.s32 $0xFFFFC000  }
0x67: {  	[hbm4b:s19+s2] =	stream.linear.scatter [tilespmem:s7], [sflag:$0x2], $0x10000, $0x38;
	[tilespmem:$0x10400] =	vst v63  }
0x68: {  	_ =	swait.ge [sflag:s3], $0x10000  }
0x69: {  	[sflag:s3] =	ssyncset.done $0x0  }
.LBB2_2:
0x6a: {  	[sflag:s3] =	ssyncadd.s32 $0xFFFF0000  }
0x6b: {  	_ =	sfence.sel $0x180000  }
0x6c: {  	[bflag:$0x0] =	sbarrier.arrive $0xFFFF  }
0x6d: {  	p0 =	sne.s32 s0, $0x0;
	_ =	strace $0x9000004A  }
0x6e: {  	s0 =	sadd.s32 @!p0 $0x100000, s1;
	[bflag:$0x2] =	sbarrier.arrive $0xFFFF  }
0x6f: {  	[sflag:s0] =	ssyncadd.tile.s32 @!p0 $0x1;
	_ =	shalt  }
.Lfunc_end2:
_tile_overlayer_lowered:
.L_overlay_start_2:
0x70: {  	(tag) =	ssettag $0x2  }
0x71: {  	s0 =	rddreg [dreg:$0x0];
	s2 =	stileid.u32  }
0x72: {  	s1 =	rddreg [dreg:$0x1];
	p0 =	sne.s32 s2, $0x0  }
0x73: {  	s3 =	rddreg [dreg:$0x2];
	[bflag:$0x3] =	sbarrier.arrive $0xFFFF;
	s2 =	simm.s32 @!p0 $0x1C02  }
0x74: {  	[timem:s3], [sflag:s2] =	dma.local @!p0 [hbm:s0], s1  }
0x75: {  	s0 =	simm.s32 @!p0 $0x2  }
0x76: {  	_ =	swait.ge @!p0 [sflag:s0], s1  }
0x77: {  	s1 =	ssub.s32 @!p0 $0x0, s1;
	[sflag:s0] =	ssyncset.done @!p0 $0x0  }
0x78: {  	[sflag:s0] =	ssyncadd.s32 @!p0 s1  }
0x79: {  	[bflag:$0x3] =	sbarrier.arrive $0xFFFF  }
0x7a: {  	_ =	shalt  }

// kernel: kernel.8.cloned.1.call-start
scs
__scs_entry_jumppad:
0x0: {  	(pc) =	sbr.rel $0x88, $3  }
0x1: {  	(tag) =	ssettag $0x0;
	lr =	simm.s32 $0x1  }
0x2: {  	[smem:$0x3F91] =	sst lr;
	_ =	strace $0xD0000000  }
0x3: {  	_ = 	snop  }
0x4: {  	_ = 	snop  }
0x5: {  	_ = 	snop  }
0x6: {  	_ = 	snop  }
0x7: {  	_ = 	snop  }
__scs_overlays_trampoline_lowered:
0x8: {  	[smem:$0x3FA0] =	sst s0  }
0x9: {  	[smem:$0x3FA1] =	sst s1  }
0xa: {  	[smem:$0x3FA2] =	sst s2  }
0xb: {  	[smem:$0x3FA3] =	sst s3  }
0xc: {  	[smem:$0x3FA4] =	sst s4  }
0xd: {  	[smem:$0x3FA5] =	sst s5  }
0xe: {  	[smem:$0x3FA6] =	sst s6  }
0xf: {  	[smem:$0x3FA7] =	sst s7  }
0x10: {  	[smem:$0x3FA8] =	sst s8  }
0x11: {  	[smem:$0x3FA9] =	sst s9;
	s0 =	simm.s32 @!p0 $0x0  }
0x12: {  	s1 =	sld [smem:$0x3F8F];
	s0 =	simm.s32 @p0 $0x1  }
0x13: {  	[smem:$0x3FAA] =	sst s0;
	s0 =	simm.s32 @!p1 $0x0  }
0x14: {  	s2 =	sld [smem:$0x3F8E];
	s0 =	simm.s32 @p1 $0x1  }
0x15: {  	[smem:$0x3FAB] =	sst s0;
	s0 =	simm.s32 @!p2 $0x0  }
0x16: {  	s3 =	sld [smem:$0x3FDB];
	s0 =	simm.s32 @p2 $0x1  }
0x17: {  	s4 =	simm.s32 $0x1BF5;
	[smem:$0x3FAD] =	sst s0  }
0x18: {  	s0 =	sld [smem:$0x3F90];
	_ =	swait.ge [sflag:s4], $0x0  }
0x19: {  	s7 =	sld [smem:$0x3F91]  }
0x1a: {  	s8 =	sadd.s32 $0xFFFFE003, lr  }
0x1b: {  	s9 =	sadd.s32 $0xFFFFFEF7, lr;
	s5 =	simm.s32 $0xFFFFFFFF;
	p2 =	slt.u32 s8, $0xFFFFF086  }
0x1c: {  	p1 =	slt.u32 s9, $0xF7A;
	s5 =	simm.s32 @!p2 $0x0  }
0x1d: {  	s5 =	simm.s32 @p1 $0x1;
	p0 =	seq.s32 s7, s2  }
0x1e: {  	s7 =	smul.u32 @!p0 $0xF7A, s2;
	p2 =	seq.s32 @!p0 s5, $0x0  }
0x1f: {  	s9 =	smul.u32 $0xF7A, s1;
	s8 =	simm.s32 @!p0 $0x1BF5;
	p2 =	por !p2, p0  }
0x20: {  	[sflag:s8] =	ssyncset.s32 @!p0 $0xFFFFF086;
	s6 =	sadd.s32 @!p0 s3, s7;
	s7 =	simm.s32 @!p0 $0x108  }
0x21: {  	s3 =	sadd.s32 s3, s9;
	s6 =	sadd.s32 @!p0 $0x88, s6;
	s7 =	simm.s32 @p2 $0x1082  }
0x22: {  	[simem:s7], [sflag:s8] =	dma.local @!p0 [hbm:s6], $0xF7A  }
0x23: {  	s9 =	sor.u32 $0xD0000000, s2;
	s6 =	simm.s32 $0x108;
	_ =	swait.ge @!p0 [sflag:s8], $0x0  }
0x24: {  	s3 =	sadd.s32 $0x88, s3;
	s6 =	simm.s32 @!p1 $0x1082;
	[sflag:s4] =	ssyncset.s32 $0xFFFFF086  }
0x25: {  	[simem:s6], [sflag:s4] =	dma.local [hbm:s3], $0xF7A  }
0x26: {  	[smem:$0x3F91] =	sst s1;
	(tag) =	ssettag s2;
	_ =	strace s9  }
0x27: {  	s1 =	sld [smem:$0x3FA1]  }
0x28: {  	s2 =	sld [smem:$0x3FA2]  }
0x29: {  	s4 =	sld [smem:$0x3FA4]  }
0x2a: {  	p0 =	seq.s32 s5, $0x0;
	s5 =	sld [smem:$0x3FA5]  }
0x2b: {  	s6 =	sld [smem:$0x3FA6]  }
0x2c: {  	s7 =	sld [smem:$0x3FA7]  }
0x2d: {  	s3 =	simm.s32 $0x108;
	s8 =	sld [smem:$0x3FA8]  }
0x2e: {  	s3 =	simm.s32 @!p0 $0x1082;
	s9 =	sld [smem:$0x3FA9]  }
0x2f: {  	lr =	sadd.s32 s0, s3;
	s0 =	sld [smem:$0x3FA0]  }
0x30: {  	s3 =	sld [smem:$0x3FA3]  }
0x31: {  	[smem:$0x3FAC] =	sst s10  }
0x32: {  	s10 =	sld [smem:$0x3FAA];
	_ =	sdelay $0x3  }
0x33: {  	p0 =	seq.s32 s10, $0x1;
	s10 =	sld [smem:$0x3FAC];
	_ =	sdelay $0x3  }
0x34: {  	[smem:$0x3FAC] =	sst s10  }
0x35: {  	s10 =	sld [smem:$0x3FAB];
	_ =	sdelay $0x3  }
0x36: {  	p1 =	seq.s32 s10, $0x1;
	s10 =	sld [smem:$0x3FAC];
	_ =	sdelay $0x3  }
0x37: {  	[smem:$0x3FAC] =	sst s10  }
0x38: {  	s10 =	sld [smem:$0x3FAD]  }
0x39: {  	_ = 	snop;
	(pc) =	sbr.ind lr, $3  }
0x3a: {  	_ = 	snop  }
0x3b: {  	_ = 	snop  }
0x3c: {  	p2 =	seq.s32 s10, $0x1;
	s10 =	sld [smem:$0x3FAC]  }
0x3d: {  	_ =	shalt  }
0x3e: {  	_ =	shalt  }
0x3f: {  	_ =	shalt  }
0x40: {  	_ =	shalt  }
0x41: {  	_ =	shalt  }
0x42: {  	_ =	shalt  }
0x43: {  	_ =	shalt  }
0x44: {  	_ =	shalt  }
0x45: {  	_ =	shalt  }
0x46: {  	_ =	shalt  }
0x47: {  	_ =	shalt  }
0x48: {  	_ =	shalt  }
0x49: {  	_ =	shalt  }
0x4a: {  	_ =	shalt  }
0x4b: {  	_ =	shalt  }
0x4c: {  	_ =	shalt  }
0x4d: {  	_ =	shalt  }
0x4e: {  	_ =	shalt  }
0x4f: {  	_ =	shalt  }
0x50: {  	_ =	shalt  }
0x51: {  	_ =	shalt  }
0x52: {  	_ =	shalt  }
0x53: {  	_ =	shalt  }
0x54: {  	_ =	shalt  }
0x55: {  	_ =	shalt  }
0x56: {  	_ =	shalt  }
0x57: {  	_ =	shalt  }
0x58: {  	_ =	shalt  }
0x59: {  	_ =	shalt  }
0x5a: {  	_ =	shalt  }
0x5b: {  	_ =	shalt  }
0x5c: {  	_ =	shalt  }
0x5d: {  	_ =	shalt  }
0x5e: {  	_ =	shalt  }
0x5f: {  	_ =	shalt  }
0x60: {  	_ =	shalt  }
0x61: {  	_ =	shalt  }
0x62: {  	_ =	shalt  }
0x63: {  	_ =	shalt  }
0x64: {  	_ =	shalt  }
0x65: {  	_ =	shalt  }
0x66: {  	_ =	shalt  }
0x67: {  	_ =	shalt  }
0x68: {  	_ =	shalt  }
0x69: {  	_ =	shalt  }
0x6a: {  	_ =	shalt  }
0x6b: {  	_ =	shalt  }
0x6c: {  	_ =	shalt  }
0x6d: {  	_ =	shalt  }
0x6e: {  	_ =	shalt  }
0x6f: {  	_ =	shalt  }
0x70: {  	_ =	shalt  }
0x71: {  	_ =	shalt  }
0x72: {  	_ =	shalt  }
0x73: {  	_ =	shalt  }
0x74: {  	_ =	shalt  }
0x75: {  	_ =	shalt  }
0x76: {  	_ =	shalt  }
0x77: {  	_ =	shalt  }
0x78: {  	_ =	shalt  }
0x79: {  	_ =	shalt  }
0x7a: {  	_ =	shalt  }
0x7b: {  	_ =	shalt  }
0x7c: {  	_ =	shalt  }
0x7d: {  	_ =	shalt  }
0x7e: {  	_ =	shalt  }
0x7f: {  	_ =	shalt  }
0x80: {  	_ =	shalt  }
0x81: {  	_ =	shalt  }
0x82: {  	_ =	shalt  }
0x83: {  	_ =	shalt  }
0x84: {  	_ =	shalt  }
0x85: {  	_ =	shalt  }
0x86: {  	_ =	shalt  }
0x87: {  	_ =	shalt  }
.Lfunc_end0:
.L_simem_size_0:
called_computation.1_lowered:
.L_overlay_start_0:
0x88: {  	s2 =	sld [smem:$0x3FD9]  }
0x89: {  	s3 =	sld [smem:$0x3FFE];
	_ =	sdelay $0x1  }
0x8a: {  	s1 =	srdreg.scid  }
0x8b: {  	s0 =	sand.u32 $0x1, s1  }
0x8c: {  	s18 =	sshll.u32 s0, $0xA;
	s2 =	sadd.s32 s3, s2  }
0x8d: {  	s2 =	sadd.s32 s2, s18  }
0x8e: {  	[smem:$0x3FB8] =	sst s2  }
0x8f: {  	_ = 	snop  }
0x90: {  	s2 =	sld [smem:$0x3FC8]  }
0x91: {  	s19 =	sld [smem:$0x3FC3]  }
0x92: {  	s4 =	sld [smem:$0x3FD0];
	(tm) =	ssettm $0x1  }
0x93: {  	s5 =	sld [smem:$0x3FFB];
	_ =	sdelay $0x3  }
0x94: {  	_ =	strace s5  }
0x95: {  	s5 =	sld [smem:$0x3FFC];
	_ =	sdelay $0x3  }
0x96: {  	_ =	strace s5  }
0x97: {  	s5 =	sld [smem:$0x3FFD];
	_ =	sdelay $0x3  }
0x98: {  	_ =	strace s5  }
0x99: {  	_ =	strace $0x8FFFFFFF  }
0x9a: {  	s20 =	sld [smem:$0x3FDB];
	_ =	sdelay $0x1  }
0x9b: {  	s6 =	simm.s32 $_scs_section_size  }
0x9c: {  	s7 =	simm.s32 $_size__tile_overlayer_lowered;
	s8 =	simm.s32 $_tile_overlayer_lowered  }
0x9d: {  	s23 =	simm.s32 $0x1BFF;
	s22 =	sshll.u32 s8, $0x1;
	s5 =	sadd.s32 s6, s20  }
0x9e: {  	s9 =	simm.s32 $0x0;
	s21 =	sshll.u32 s7, $0x1;
	s7 =	sadd.s32 s22, s5  }
0x9f: {  	[timem:s9], [sflag:s23] =	dma.local [hbm:s7], s21  }
0xa0: {  	_ =	swait.ge [sflag:s23], s21  }
0xa1: {  	s6 =	ssub.s32 $0x0, s21;
	[sflag:s23] =	ssyncset.done $0x0  }
0xa2: {  	[sflag:s23] =	ssyncadd.s32 s6;
	_ =	sdelay $0x1  }
0xa3: {  	s24 =	simm.s32 $0x1B8B  }
0xa4: {  	_ =	swait.ge [sflag:s24], $0x1  }
0xa5: {  	[sflag:s24] =	ssyncset.done $0x0  }
0xa6: {  	s25 =	simm.s32 $0x1B8E;
	[sflag:s24] =	ssyncadd.s32 $0xFFFFFFFF  }
0xa7: {  	s26 =	simm.s32 $execute0_lowered;
	[smem:$0x3FD2] =	sst s25  }
0xa8: {  	s6 =	sshll.u32 s26, $0x1;
	_ =	strace $0x80000046;
	[dreg:$0x1] =	wrdreg $0xFFFFFFFF  }
0xa9: {  	s28 =	simm.s32 $_size_execute0_lowered;
	s5 =	sadd.s32 s5, s6;
	[dreg:$0x0] =	wrdreg $0x0  }
0xaa: {  	s6 =	sshll.u32 s28, $0x1;
	[dreg:$0x2] =	wrdreg s5  }
0xab: {  	[dreg:$0x3] =	wrdreg s6  }
0xac: {  	[dreg:$0x4] =	wrdreg $0xC0  }
0xad: {  	_ =	task [dreg:s9], $0x5FFFF  }
0xae: {  	[dreg:$0x1] =	wrdreg $0xFFFFFFFF  }
0xaf: {  	[dreg:$0x0] =	wrdreg $0x60  }
0xb0: {  	[dreg:$0x2] =	wrdreg s19  }
0xb1: {  	[dreg:$0x3] =	wrdreg s2  }
0xb2: {  	[dreg:$0x4] =	wrdreg s4  }
0xb3: {  	[dreg:$0x5] =	wrdreg $0xA  }
0xb4: {  	_ =	task.clear_ibuf [dreg:s9], $0x6FFFF;
	_ =	strace $0x90000046  }
0xb5: {  	s29 =	simm.s32 $0xA;
	_ =	strace $0x80000048  }
0xb6: {  	_ =	swait.ge [sflag:s29], $0x1  }
0xb7: {  	[sflag:s29] =	ssyncadd.s32 $0xFFFFFFFF  }
0xb8: {  	_ =	strace $0x90000048  }
0xb9: {  	_ =	sfence  }
0xba: {  	s30 =	sld [smem:$0x0];
	_ =	sdelay $0x2  }
0xbb: {  	s31 =	sshll.u32 s1, $0xD;
	s1 =	sshrl.u32 s1, $0x2  }
0xbc: {  	s3 =	sand.u32 $0x4000, s31;
	s1 =	sadd.s32 s1, s30  }
0xbd: {  	s0 =	sor.u32 s3, s0;
	s1 =	sshll.u32 s1, $0x11  }
0xbe: {  	s0 =	sor.u32 s1, s0  }
0xbf: {  	s0 =	sadd.s32 $0x8F2B, s0  }
0xc0: {  	[sflag:s0] =	ssyncadd.remote.s32 $0x1  }
0xc1: {  	_ =	sfence.sel $0xFFFF  }
0xc2: {  	[dreg:$0x0] =	wrdreg $0xFFFFFFFF;
	(pc) =	sbr.abs _section_cstart, $3  }
0xc3: {  	[dreg:$0x1] =	wrdreg $0xFFFFFFFF  }
0xc4: {  	_ =	task.clear_ibuf [dreg:s9], $0x2FFFF;
	_ =	strace $0x9FFFFFFF  }
0xc5: {  	(tm) =	ssettm $0x7FFFFFFF  }
tec
execute0_lowered:
.L_overlay_start_1:
0x0: {  	(tag) =	ssettag $0x1  }
0x1: {  	s1 =	rddreg [dreg:$0x0]  }
0x2: {  	s4 =	rddreg [dreg:$0x1]  }
0x3: {  	s14 =	rddreg [dreg:$0x2];
	s2 =	srdreg.scid  }
0x4: {  	s0 =	rddreg [dreg:$0x3];
	s15 =	sand.u32 $0x1, s2  }
0x5: {  	s3 =	simm.s32 $0x0;
	s2 =	stileid.u32;
	s5 =	sshll.u32 s15, $0x6  }
0x6: {  	[smem:$0x7FF] =	sst s3;
	s6 =	sshll.u32 s2, $0x7;
	s4 =	sadd.s32 s4, s5  }
0x7: {  	_ =	strace $0x80000047;
	s5 =	sadd.s32 s6, s4;
	s4 =	simm.s32 $0x2  }
0x8: {  	[tilespmem:s3], [sflag:$0x2] =	stream.linear.gather [hbm4b:s5+s3], $0x200, $0x38;
	[tilespmem:$0x10200] =	vst v63  }
0x9: {  	_ =	swait.ge [sflag:s4], $0x200  }
0xa: {  	[sflag:s4] =	ssyncset.done $0x0  }
0xb: {  	s7 =	simm.s32 $0x200;
	s6 =	simm.s32 $0x80;
	[sflag:s4] =	ssyncadd.s32 $0xFFFFFE00  }
0xc: {  	[tilespmem:s7], [sflag:$0x1] =	stream.indirect.gather [hbm4b:s1+s6], $0x80, s3, s6, $0xb8;
	[tilespmem:$0x10200] =	vst v63  }
0xd: {  	s8 =	simm.s32 $0x4200  }
0xe: {  	[tilespmem:s8], [sflag:$0x1] =	stream.indirect.gather [hbm4b:s1+s6], $0x80, s6, s6, $0xb8;
	[tilespmem:$0x10200] =	vst v63  }
0xf: {  	s9 =	simm.s32 $0x100;
	s10 =	simm.s32 $0x8200  }
0x10: {  	[tilespmem:s10], [sflag:$0x1] =	stream.indirect.gather [hbm4b:s1+s6], $0x80, s9, s6, $0xb8;
	[tilespmem:$0x10200] =	vst v63  }
0x11: {  	s11 =	simm.s32 $0x180;
	s12 =	simm.s32 $0xC200;
	s13 =	simm.s32 $0x1  }
0x12: {  	[tilespmem:s12], [sflag:$0x1] =	stream.indirect.gather [hbm4b:s1+s6], $0x80, s11, s6, $0xb8;
	[tilespmem:$0x10200] =	vst v63  }
0x13: {  	_ =	swait.ge [sflag:s13], $0x4000  }
0x14: {  	[sflag:s13] =	ssyncset.done $0x0  }
0x15: {  	[sflag:s13] =	ssyncadd.s32 $0xFFFFC000  }
0x16: {  	_ =	swait.ge [sflag:s13], $0x4000  }
0x17: {  	[sflag:s13] =	ssyncset.done $0x0  }
0x18: {  	s16 =	ssub.s32 $0x2, s15;
	[sflag:s13] =	ssyncadd.s32 $0xFFFFC000  }
0x19: {  	s17 =	sshrl.u32 s16, $0x1;
	_ =	swait.ge [sflag:s13], $0x4000  }
0x1a: {  	s16 =	ssub.s32 s16, s17;
	[sflag:s13] =	ssyncset.done $0x0  }
0x1b: {  	s15 =	sshll.u32 s15, $0xD;
	s31 =	smax.u32 s16, $0x1;
	[sflag:s13] =	ssyncadd.s32 $0xFFFFC000  }
0x1c: {  	s30 =	sshll.u32 s2, $0xE;
	p0 =	sne.s32 s31, $0x1;
	_ =	swait.ge [sflag:s13], $0x4000  }
.Ltmp0:
0x1d: {  	s14 =	sadd.s32 s14, s15;
	[sflag:s13] =	ssyncset.done $0x0;
	(pc) =	sbr.rel @!p0 .LBB2_2-.Ltmp0, $4  }
0x1e: {  	s14 =	sadd.s32 s30, s14;
	[sflag:s13] =	ssyncadd.s32 $0xFFFFC000  }
0x1f: {  	[hbm4b:s14+s3] =	stream.linear.scatter [tilespmem:s7], [sflag:$0x2], $0x10000, $0x38;
	[tilespmem:$0x10200] =	vst v63  }
0x20: {  	_ =	swait.ge [sflag:s4], $0x10000  }
0x21: {  	s15 =	sadd.s32 $0xFFFFFFFF, s31;
	[sflag:s4] =	ssyncset.done $0x0  }
.LBB2_1:
0x22: {  	p0 =	sne.s32 s15, $0x1;
	s15 =	sadd.s32 $0xFFFFFFFF, s15;
	[sflag:s4] =	ssyncadd.s32 $0xFFFF0000  }
0x23: {  	[tilespmem:s3], [sflag:$0x2] =	stream.linear.gather [hbm4b:s5+s3], $0x200, $0x38;
	[tilespmem:$0x10200] =	vst v63  }
0x24: {  	_ =	swait.ge [sflag:s4], $0x200  }
0x25: {  	[sflag:s4] =	ssyncset.done $0x0  }
0x26: {  	[sflag:s4] =	ssyncadd.s32 $0xFFFFFE00  }
0x27: {  	[tilespmem:s7], [sflag:$0x1] =	stream.indirect.gather [hbm4b:s1+s6], $0x80, s3, s6, $0xb8;
	[tilespmem:$0x10200] =	vst v63  }
0x28: {  	_ = 	snop  }
0x29: {  	[tilespmem:s8], [sflag:$0x1] =	stream.indirect.gather [hbm4b:s1+s6], $0x80, s6, s6, $0xb8;
	[tilespmem:$0x10200] =	vst v63  }
0x2a: {  	_ = 	snop  }
0x2b: {  	[tilespmem:s10], [sflag:$0x1] =	stream.indirect.gather [hbm4b:s1+s6], $0x80, s9, s6, $0xb8;
	[tilespmem:$0x10200] =	vst v63  }
0x2c: {  	_ = 	snop  }
0x2d: {  	[tilespmem:s12], [sflag:$0x1] =	stream.indirect.gather [hbm4b:s1+s6], $0x80, s11, s6, $0xb8;
	[tilespmem:$0x10200] =	vst v63  }
0x2e: {  	_ =	swait.ge [sflag:s13], $0x4000  }
0x2f: {  	[sflag:s13] =	ssyncset.done $0x0  }
0x30: {  	[sflag:s13] =	ssyncadd.s32 $0xFFFFC000  }
0x31: {  	_ =	swait.ge [sflag:s13], $0x4000  }
0x32: {  	[sflag:s13] =	ssyncset.done $0x0  }
0x33: {  	[sflag:s13] =	ssyncadd.s32 $0xFFFFC000  }
0x34: {  	_ =	swait.ge [sflag:s13], $0x4000  }
0x35: {  	[sflag:s13] =	ssyncset.done $0x0  }
0x36: {  	[sflag:s13] =	ssyncadd.s32 $0xFFFFC000  }
0x37: {  	_ =	swait.ge [sflag:s13], $0x4000  }
.Ltmp1:
0x38: {  	[sflag:s13] =	ssyncset.done $0x0;
	(pc) =	sbr.rel @p0 .LBB2_1-.Ltmp1, $4  }
0x39: {  	[sflag:s13] =	ssyncadd.s32 $0xFFFFC000  }
0x3a: {  	[hbm4b:s14+s3] =	stream.linear.scatter [tilespmem:s7], [sflag:$0x2], $0x10000, $0x38;
	[tilespmem:$0x10200] =	vst v63  }
0x3b: {  	_ =	swait.ge [sflag:s4], $0x10000  }
0x3c: {  	[sflag:s4] =	ssyncset.done $0x0  }
.LBB2_2:
0x3d: {  	[sflag:s4] =	ssyncadd.s32 $0xFFFF0000  }
0x3e: {  	_ =	sfence.sel $0x180000  }
0x3f: {  	[bflag:$0x0] =	sbarrier.arrive $0xFFFF  }
0x40: {  	p0 =	sne.s32 s2, $0x0;
	_ =	strace $0x90000047  }
0x41: {  	s0 =	sadd.s32 @!p0 $0x100000, s0;
	[bflag:$0x2] =	sbarrier.arrive $0xFFFF  }
0x42: {  	[sflag:s0] =	ssyncadd.tile.s32 @!p0 $0x1;
	_ =	shalt  }
.Lfunc_end2:
_tile_overlayer_lowered:
.L_overlay_start_2:
0x43: {  	(tag) =	ssettag $0x2  }
0x44: {  	s0 =	rddreg [dreg:$0x0];
	s2 =	stileid.u32  }
0x45: {  	s1 =	rddreg [dreg:$0x1];
	p0 =	sne.s32 s2, $0x0  }
0x46: {  	s3 =	rddreg [dreg:$0x2];
	[bflag:$0x3] =	sbarrier.arrive $0xFFFF;
	s2 =	simm.s32 @!p0 $0x1C02  }
0x47: {  	[timem:s3], [sflag:s2] =	dma.local @!p0 [hbm:s0], s1  }
0x48: {  	s0 =	simm.s32 @!p0 $0x2  }
0x49: {  	_ =	swait.ge @!p0 [sflag:s0], s1  }
0x4a: {  	s1 =	ssub.s32 @!p0 $0x0, s1;
	[sflag:s0] =	ssyncset.done @!p0 $0x0  }
0x4b: {  	[sflag:s0] =	ssyncadd.s32 @!p0 s1  }
0x4c: {  	[bflag:$0x3] =	sbarrier.arrive $0xFFFF  }
0x4d: {  	_ =	shalt  }

</sc_bundles>
